<compile_context>
chip_gen: v7x
topology: tpu7x:2x2x1
jax: 0.10.2.dev20260603
libtpu: 0.0.44.dev20260713+nightly
codegen_flags: <defaults>
</compile_context>

<pallas_src>
import functools

import jax
import jax.numpy as jnp
from jax import lax
from jax.experimental import pallas as pl
from jax.experimental.pallas import tpu as pltpu
from jax.experimental.pallas import tpu_sc as plsc


def _make_sc_gather(K, N):
    NC = 1
    rpc = N // NC
    mesh = plsc.ScalarSubcoreMesh(axis_name="c", num_cores=NC)

    @functools.partial(
        pl.kernel,
        mesh=mesh,
        out_type=jax.ShapeDtypeStruct((N, N), jnp.float32),
        scratch_types=[
            pltpu.SMEM((K // 2,), jnp.float32),
            pltpu.SMEM((K // 2,), jnp.float32),
            pltpu.VMEM_SHARED((N // NC, N), jnp.float32),
            pltpu.SemaphoreType.DMA,
            pltpu.SemaphoreType.DMA,
        ],
        compiler_params=pltpu.CompilerParams(
            needs_layout_passes=False, use_tc_tiling_on_sc=True
        ),
    )
    def sc_gather(adj_hbm, z_hbm, out_hbm, z_a, z_b, sp, sem, sem2):
        cid = lax.axis_index("c")
        H = K // 2
        get_a = pltpu.async_copy(z_hbm.at[pl.ds(0, H)], z_a, sem)
        get_b = pltpu.async_copy(z_hbm.at[pl.ds(H, H)], z_b, sem2)
        get_a.wait()
        best_val = z_a[0]
        best_idx = jnp.int32(0)
        for i in range(1, H):
            v = z_a[i]
            gt = v > best_val
            best_idx = jnp.where(gt, jnp.int32(i), best_idx)
            best_val = jnp.maximum(best_val, v)
        get_b.wait()
        for i in range(H):
            v = z_b[i]
            gt = v > best_val
            best_idx = jnp.where(gt, jnp.int32(H + i), best_idx)
            best_val = jnp.maximum(best_val, v)
        n_ch = 4
        rows = rpc // n_ch
        gets = []
        for j in range(n_ch):
            gets.append(
                pltpu.async_copy(
                    adj_hbm.at[best_idx, pl.ds(cid * rpc + j * rows, rows)],
                    sp.at[pl.ds(j * rows, rows)],
                    sem,
                )
            )
        puts = []
        for j in range(n_ch):
            gets[j].wait()
            puts.append(
                pltpu.async_copy(
                    sp.at[pl.ds(j * rows, rows)],
                    out_hbm.at[pl.ds(cid * rpc + j * rows, rows)],
                    sem2,
                )
            )
        for p in puts:
            p.wait()

    return sc_gather


def kernel(adj_matrices):
    K, N, _ = adj_matrices.shape
    z = jnp.ones((K,), jnp.float32) + jax.random.gumbel(
        jax.random.key(42), (K,), jnp.float32
    )
    return _make_sc_gather(K, N)(adj_matrices, z)

# --- scband reference (transcript-rebuilt; emitter-appended) ---
"""Pipeline reference for scband-categorical-adjacency-82970178224257 (READ-ONLY COPY).

The authoritative reference and input builder live on the scoring server;
editing this copy changes nothing except your own understanding.
"""

import jax, jax.numpy as jnp
import numpy as np

K = 256
N = 256

def setup_inputs(seed: int = 0) -> dict:
    key = jax.random.key(seed)
    # binary-ish adjacency matrices, as DECI stores candidate DAGs
    adj = (jax.random.uniform(key, (K, N, N), dtype=jnp.float32) < 0.1).astype(jnp.float32)
    return {"adj_matrices": adj}

def reference(adj_matrices):
    # CategoricalAdjacency.sample_A:
    #   dist = Categorical(logits=ones(K)); A = adj_matrices[dist.sample()]
    k = adj_matrices.shape[0]
    logits = jnp.ones((k,), dtype=jnp.float32)
    idx = jax.random.categorical(jax.random.key(42), logits)
    sampled_A = jnp.take(adj_matrices, idx, axis=0)
    return sampled_A

if __name__ == "__main__":
    import jax
    _d = setup_inputs()
    print(jax.jit(kernel)(*tuple(_d.values())))

</pallas_src>

<mosaic_0001>
#map = affine_map<(d0) -> (0, 0, 0)>
#map1 = affine_map<(d0) -> (0)>
#map2 = affine_map<(d0) -> (0, 0)>
module attributes {stable_mosaic.version = 14 : i64} {
  func.func @sc_gather(%arg0: i32, %arg1: memref<256x256x256xf32, #tpu.memory_space<hbm>>, %arg2: memref<256xf32, #tpu.memory_space<hbm>>, %arg3: memref<256x256xf32, #tpu.memory_space<hbm>>, %arg4: memref<128xf32, #tpu.memory_space<smem>>, %arg5: memref<128xf32, #tpu.memory_space<smem>>, %arg6: memref<256x256xf32, #tpu.memory_space<vmem_shared>>, %arg7: memref<!tpu.dma_semaphore, #tpu.memory_space<semaphore_mem>>, %arg8: memref<!tpu.dma_semaphore, #tpu.memory_space<semaphore_mem>>) attributes {dimension_semantics = [#tpu.dimension_semantics<core_parallel>], iteration_bounds = array<i64: 1>, scalar_prefetch = 0 : i64, scratch_operands = 5 : i64, tpu.core_type = #tpu.core_type<sc_scalar_subcore>, window_params = [{transform_indices = #map}, {transform_indices = #map1}, {transform_indices = #map2}]} {
    %dma_start3A = arith.constant 0 : i32
    %dma_start3A_0 = tpu.memref_slice %arg2[%dma_start3A] : memref<256xf32, #tpu.memory_space<hbm>> -> memref<128xf32, #tpu.memory_space<hbm>>
    tpu.enqueue_dma source(%dma_start3A_0 : memref<128xf32, #tpu.memory_space<hbm>>) target(%arg4 : memref<128xf32, #tpu.memory_space<smem>>) target_semaphore(%arg7 : memref<!tpu.dma_semaphore, #tpu.memory_space<semaphore_mem>>)
    %dma_start3A_1 = arith.constant 128 : i32
    %dma_start3A_2 = tpu.memref_slice %arg2[%dma_start3A_1] : memref<256xf32, #tpu.memory_space<hbm>> -> memref<128xf32, #tpu.memory_space<hbm>>
    tpu.enqueue_dma source(%dma_start3A_2 : memref<128xf32, #tpu.memory_space<hbm>>) target(%arg5 : memref<128xf32, #tpu.memory_space<smem>>) target_semaphore(%arg8 : memref<!tpu.dma_semaphore, #tpu.memory_space<semaphore_mem>>)
    %dma_wait3A = arith.constant 0 : i32
    %dma_wait3A_3 = tpu.memref_slice %arg2[%dma_wait3A] : memref<256xf32, #tpu.memory_space<hbm>> -> memref<128xf32, #tpu.memory_space<hbm>>
    tpu.wait_dma2 semaphore(%arg7 : memref<!tpu.dma_semaphore, #tpu.memory_space<semaphore_mem>>) src(%dma_wait3A_3 : memref<128xf32, #tpu.memory_space<hbm>>) dst(%arg4 : memref<128xf32, #tpu.memory_space<smem>>)
    %get3A = arith.constant 0 : i32
    %get3A_4 = arith.index_cast %get3A : i32 to index
    %get3A_5 = memref.load %arg4[%get3A_4] : memref<128xf32, #tpu.memory_space<smem>>
    %get3A_6 = arith.constant 1 : i32
    %get3A_7 = arith.index_cast %get3A_6 : i32 to index
    %get3A_8 = memref.load %arg4[%get3A_7] : memref<128xf32, #tpu.memory_space<smem>>
    %gt3A = arith.cmpf ogt, %get3A_8, %get3A_5 : f32
    %jit3A = arith.constant 1 : i32
    %jit3A_9 = arith.constant 0 : i32
    %select_n3A = arith.select %gt3A, %jit3A, %jit3A_9 : i32
    %max3A = arith.maximumf %get3A_5, %get3A_8 : f32
    %get3A_10 = arith.constant 2 : i32
    %get3A_11 = arith.index_cast %get3A_10 : i32 to index
    %get3A_12 = memref.load %arg4[%get3A_11] : memref<128xf32, #tpu.memory_space<smem>>
    %gt3A_13 = arith.cmpf ogt, %get3A_12, %max3A : f32
    %jit3A_14 = arith.constant 2 : i32
    %select_n3A_15 = arith.select %gt3A_13, %jit3A_14, %select_n3A : i32
    %max3A_16 = arith.maximumf %max3A, %get3A_12 : f32
    %get3A_17 = arith.constant 3 : i32
    %get3A_18 = arith.index_cast %get3A_17 : i32 to index
    %get3A_19 = memref.load %arg4[%get3A_18] : memref<128xf32, #tpu.memory_space<smem>>
    %gt3A_20 = arith.cmpf ogt, %get3A_19, %max3A_16 : f32
    %jit3A_21 = arith.constant 3 : i32
    %select_n3A_22 = arith.select %gt3A_20, %jit3A_21, %select_n3A_15 : i32
    %max3A_23 = arith.maximumf %max3A_16, %get3A_19 : f32
    %get3A_24 = arith.constant 4 : i32
    %get3A_25 = arith.index_cast %get3A_24 : i32 to index
    %get3A_26 = memref.load %arg4[%get3A_25] : memref<128xf32, #tpu.memory_space<smem>>
    %gt3A_27 = arith.cmpf ogt, %get3A_26, %max3A_23 : f32
    %jit3A_28 = arith.constant 4 : i32
    %select_n3A_29 = arith.select %gt3A_27, %jit3A_28, %select_n3A_22 : i32
    %max3A_30 = arith.maximumf %max3A_23, %get3A_26 : f32
    %get3A_31 = arith.constant 5 : i32
    %get3A_32 = arith.index_cast %get3A_31 : i32 to index
    %get3A_33 = memref.load %arg4[%get3A_32] : memref<128xf32, #tpu.memory_space<smem>>
    %gt3A_34 = arith.cmpf ogt, %get3A_33, %max3A_30 : f32
    %jit3A_35 = arith.constant 5 : i32
    %select_n3A_36 = arith.select %gt3A_34, %jit3A_35, %select_n3A_29 : i32
    %max3A_37 = arith.maximumf %max3A_30, %get3A_33 : f32
    %get3A_38 = arith.constant 6 : i32
    %get3A_39 = arith.index_cast %get3A_38 : i32 to index
    %get3A_40 = memref.load %arg4[%get3A_39] : memref<128xf32, #tpu.memory_space<smem>>
    %gt3A_41 = arith.cmpf ogt, %get3A_40, %max3A_37 : f32
    %jit3A_42 = arith.constant 6 : i32
    %select_n3A_43 = arith.select %gt3A_41, %jit3A_42, %select_n3A_36 : i32
    %max3A_44 = arith.maximumf %max3A_37, %get3A_40 : f32
    %get3A_45 = arith.constant 7 : i32
    %get3A_46 = arith.index_cast %get3A_45 : i32 to index
    %get3A_47 = memref.load %arg4[%get3A_46] : memref<128xf32, #tpu.memory_space<smem>>
    %gt3A_48 = arith.cmpf ogt, %get3A_47, %max3A_44 : f32
    %jit3A_49 = arith.constant 7 : i32
    %select_n3A_50 = arith.select %gt3A_48, %jit3A_49, %select_n3A_43 : i32
    %max3A_51 = arith.maximumf %max3A_44, %get3A_47 : f32
    %get3A_52 = arith.constant 8 : i32
    %get3A_53 = arith.index_cast %get3A_52 : i32 to index
    %get3A_54 = memref.load %arg4[%get3A_53] : memref<128xf32, #tpu.memory_space<smem>>
    %gt3A_55 = arith.cmpf ogt, %get3A_54, %max3A_51 : f32
    %jit3A_56 = arith.constant 8 : i32
    %select_n3A_57 = arith.select %gt3A_55, %jit3A_56, %select_n3A_50 : i32
    %max3A_58 = arith.maximumf %max3A_51, %get3A_54 : f32
    %get3A_59 = arith.constant 9 : i32
    %get3A_60 = arith.index_cast %get3A_59 : i32 to index
    %get3A_61 = memref.load %arg4[%get3A_60] : memref<128xf32, #tpu.memory_space<smem>>
    %gt3A_62 = arith.cmpf ogt, %get3A_61, %max3A_58 : f32
    %jit3A_63 = arith.constant 9 : i32
    %select_n3A_64 = arith.select %gt3A_62, %jit3A_63, %select_n3A_57 : i32
    %max3A_65 = arith.maximumf %max3A_58, %get3A_61 : f32
    %get3A_66 = arith.constant 10 : i32
    %get3A_67 = arith.index_cast %get3A_66 : i32 to index
    %get3A_68 = memref.load %arg4[%get3A_67] : memref<128xf32, #tpu.memory_space<smem>>
    %gt3A_69 = arith.cmpf ogt, %get3A_68, %max3A_65 : f32
    %jit3A_70 = arith.constant 10 : i32
    %select_n3A_71 = arith.select %gt3A_69, %jit3A_70, %select_n3A_64 : i32
    %max3A_72 = arith.maximumf %max3A_65, %get3A_68 : f32
    %get3A_73 = arith.constant 11 : i32
    %get3A_74 = arith.index_cast %get3A_73 : i32 to index
    %get3A_75 = memref.load %arg4[%get3A_74] : memref<128xf32, #tpu.memory_space<smem>>
    %gt3A_76 = arith.cmpf ogt, %get3A_75, %max3A_72 : f32
    %jit3A_77 = arith.constant 11 : i32
    %select_n3A_78 = arith.select %gt3A_76, %jit3A_77, %select_n3A_71 : i32
    %max3A_79 = arith.maximumf %max3A_72, %get3A_75 : f32
    %get3A_80 = arith.constant 12 : i32
    %get3A_81 = arith.index_cast %get3A_80 : i32 to index
    %get3A_82 = memref.load %arg4[%get3A_81] : memref<128xf32, #tpu.memory_space<smem>>
    %gt3A_83 = arith.cmpf ogt, %get3A_82, %max3A_79 : f32
    %jit3A_84 = arith.constant 12 : i32
    %select_n3A_85 = arith.select %gt3A_83, %jit3A_84, %select_n3A_78 : i32
    %max3A_86 = arith.maximumf %max3A_79, %get3A_82 : f32
    %get3A_87 = arith.constant 13 : i32
    %get3A_88 = arith.index_cast %get3A_87 : i32 to index
    %get3A_89 = memref.load %arg4[%get3A_88] : memref<128xf32, #tpu.memory_space<smem>>
    %gt3A_90 = arith.cmpf ogt, %get3A_89, %max3A_86 : f32
    %jit3A_91 = arith.constant 13 : i32
    %select_n3A_92 = arith.select %gt3A_90, %jit3A_91, %select_n3A_85 : i32
    %max3A_93 = arith.maximumf %max3A_86, %get3A_89 : f32
    %get3A_94 = arith.constant 14 : i32
    %get3A_95 = arith.index_cast %get3A_94 : i32 to index
    %get3A_96 = memref.load %arg4[%get3A_95] : memref<128xf32, #tpu.memory_space<smem>>
    %gt3A_97 = arith.cmpf ogt, %get3A_96, %max3A_93 : f32
    %jit3A_98 = arith.constant 14 : i32
    %select_n3A_99 = arith.select %gt3A_97, %jit3A_98, %select_n3A_92 : i32
    %max3A_100 = arith.maximumf %max3A_93, %get3A_96 : f32
    %get3A_101 = arith.constant 15 : i32
    %get3A_102 = arith.index_cast %get3A_101 : i32 to index
    %get3A_103 = memref.load %arg4[%get3A_102] : memref<128xf32, #tpu.memory_space<smem>>
    %gt3A_104 = arith.cmpf ogt, %get3A_103, %max3A_100 : f32
    %jit3A_105 = arith.constant 15 : i32
    %select_n3A_106 = arith.select %gt3A_104, %jit3A_105, %select_n3A_99 : i32
    %max3A_107 = arith.maximumf %max3A_100, %get3A_103 : f32
    %get3A_108 = arith.constant 16 : i32
    %get3A_109 = arith.index_cast %get3A_108 : i32 to index
    %get3A_110 = memref.load %arg4[%get3A_109] : memref<128xf32, #tpu.memory_space<smem>>
    %gt3A_111 = arith.cmpf ogt, %get3A_110, %max3A_107 : f32
    %jit3A_112 = arith.constant 16 : i32
    %select_n3A_113 = arith.select %gt3A_111, %jit3A_112, %select_n3A_106 : i32
    %max3A_114 = arith.maximumf %max3A_107, %get3A_110 : f32
    %get3A_115 = arith.constant 17 : i32
    %get3A_116 = arith.index_cast %get3A_115 : i32 to index
    %get3A_117 = memref.load %arg4[%get3A_116] : memref<128xf32, #tpu.memory_space<smem>>
    %gt3A_118 = arith.cmpf ogt, %get3A_117, %max3A_114 : f32
    %jit3A_119 = arith.constant 17 : i32
    %select_n3A_120 = arith.select %gt3A_118, %jit3A_119, %select_n3A_113 : i32
    %max3A_121 = arith.maximumf %max3A_114, %get3A_117 : f32
    %get3A_122 = arith.constant 18 : i32
    %get3A_123 = arith.index_cast %get3A_122 : i32 to index
    %get3A_124 = memref.load %arg4[%get3A_123] : memref<128xf32, #tpu.memory_space<smem>>
    %gt3A_125 = arith.cmpf ogt, %get3A_124, %max3A_121 : f32
    %jit3A_126 = arith.constant 18 : i32
    %select_n3A_127 = arith.select %gt3A_125, %jit3A_126, %select_n3A_120 : i32
    %max3A_128 = arith.maximumf %max3A_121, %get3A_124 : f32
    %get3A_129 = arith.constant 19 : i32
    %get3A_130 = arith.index_cast %get3A_129 : i32 to index
    %get3A_131 = memref.load %arg4[%get3A_130] : memref<128xf32, #tpu.memory_space<smem>>
    %gt3A_132 = arith.cmpf ogt, %get3A_131, %max3A_128 : f32
    %jit3A_133 = arith.constant 19 : i32
    %select_n3A_134 = arith.select %gt3A_132, %jit3A_133, %select_n3A_127 : i32
    %max3A_135 = arith.maximumf %max3A_128, %get3A_131 : f32
    %get3A_136 = arith.constant 20 : i32
    %get3A_137 = arith.index_cast %get3A_136 : i32 to index
    %get3A_138 = memref.load %arg4[%get3A_137] : memref<128xf32, #tpu.memory_space<smem>>
    %gt3A_139 = arith.cmpf ogt, %get3A_138, %max3A_135 : f32
    %jit3A_140 = arith.constant 20 : i32
    %select_n3A_141 = arith.select %gt3A_139, %jit3A_140, %select_n3A_134 : i32
    %max3A_142 = arith.maximumf %max3A_135, %get3A_138 : f32
    %get3A_143 = arith.constant 21 : i32
    %get3A_144 = arith.index_cast %get3A_143 : i32 to index
    %get3A_145 = memref.load %arg4[%get3A_144] : memref<128xf32, #tpu.memory_space<smem>>
    %gt3A_146 = arith.cmpf ogt, %get3A_145, %max3A_142 : f32
    %jit3A_147 = arith.constant 21 : i32
    %select_n3A_148 = arith.select %gt3A_146, %jit3A_147, %select_n3A_141 : i32
    %max3A_149 = arith.maximumf %max3A_142, %get3A_145 : f32
    %get3A_150 = arith.constant 22 : i32
    %get3A_151 = arith.index_cast %get3A_150 : i32 to index
    %get3A_152 = memref.load %arg4[%get3A_151] : memref<128xf32, #tpu.memory_space<smem>>
    %gt3A_153 = arith.cmpf ogt, %get3A_152, %max3A_149 : f32
    %jit3A_154 = arith.constant 22 : i32
    %select_n3A_155 = arith.select %gt3A_153, %jit3A_154, %select_n3A_148 : i32
    %max3A_156 = arith.maximumf %max3A_149, %get3A_152 : f32
    %get3A_157 = arith.constant 23 : i32
    %get3A_158 = arith.index_cast %get3A_157 : i32 to index
    %get3A_159 = memref.load %arg4[%get3A_158] : memref<128xf32, #tpu.memory_space<smem>>
    %gt3A_160 = arith.cmpf ogt, %get3A_159, %max3A_156 : f32
    %jit3A_161 = arith.constant 23 : i32
    %select_n3A_162 = arith.select %gt3A_160, %jit3A_161, %select_n3A_155 : i32
    %max3A_163 = arith.maximumf %max3A_156, %get3A_159 : f32
    %get3A_164 = arith.constant 24 : i32
    %get3A_165 = arith.index_cast %get3A_164 : i32 to index
    %get3A_166 = memref.load %arg4[%get3A_165] : memref<128xf32, #tpu.memory_space<smem>>
    %gt3A_167 = arith.cmpf ogt, %get3A_166, %max3A_163 : f32
    %jit3A_168 = arith.constant 24 : i32
    %select_n3A_169 = arith.select %gt3A_167, %jit3A_168, %select_n3A_162 : i32
    %max3A_170 = arith.maximumf %max3A_163, %get3A_166 : f32
    %get3A_171 = arith.constant 25 : i32
    %get3A_172 = arith.index_cast %get3A_171 : i32 to index
    %get3A_173 = memref.load %arg4[%get3A_172] : memref<128xf32, #tpu.memory_space<smem>>
    %gt3A_174 = arith.cmpf ogt, %get3A_173, %max3A_170 : f32
    %jit3A_175 = arith.constant 25 : i32
    %select_n3A_176 = arith.select %gt3A_174, %jit3A_175, %select_n3A_169 : i32
    %max3A_177 = arith.maximumf %max3A_170, %get3A_173 : f32
    %get3A_178 = arith.constant 26 : i32
    %get3A_179 = arith.index_cast %get3A_178 : i32 to index
    %get3A_180 = memref.load %arg4[%get3A_179] : memref<128xf32, #tpu.memory_space<smem>>
    %gt3A_181 = arith.cmpf ogt, %get3A_180, %max3A_177 : f32
    %jit3A_182 = arith.constant 26 : i32
    %select_n3A_183 = arith.select %gt3A_181, %jit3A_182, %select_n3A_176 : i32
    %max3A_184 = arith.maximumf %max3A_177, %get3A_180 : f32
    %get3A_185 = arith.constant 27 : i32
    %get3A_186 = arith.index_cast %get3A_185 : i32 to index
    %get3A_187 = memref.load %arg4[%get3A_186] : memref<128xf32, #tpu.memory_space<smem>>
    %gt3A_188 = arith.cmpf ogt, %get3A_187, %max3A_184 : f32
    %jit3A_189 = arith.constant 27 : i32
    %select_n3A_190 = arith.select %gt3A_188, %jit3A_189, %select_n3A_183 : i32
    %max3A_191 = arith.maximumf %max3A_184, %get3A_187 : f32
    %get3A_192 = arith.constant 28 : i32
    %get3A_193 = arith.index_cast %get3A_192 : i32 to index
    %get3A_194 = memref.load %arg4[%get3A_193] : memref<128xf32, #tpu.memory_space<smem>>
    %gt3A_195 = arith.cmpf ogt, %get3A_194, %max3A_191 : f32
    %jit3A_196 = arith.constant 28 : i32
    %select_n3A_197 = arith.select %gt3A_195, %jit3A_196, %select_n3A_190 : i32
    %max3A_198 = arith.maximumf %max3A_191, %get3A_194 : f32
    %get3A_199 = arith.constant 29 : i32
    %get3A_200 = arith.index_cast %get3A_199 : i32 to index
    %get3A_201 = memref.load %arg4[%get3A_200] : memref<128xf32, #tpu.memory_space<smem>>
    %gt3A_202 = arith.cmpf ogt, %get3A_201, %max3A_198 : f32
    %jit3A_203 = arith.constant 29 : i32
    %select_n3A_204 = arith.select %gt3A_202, %jit3A_203, %select_n3A_197 : i32
    %max3A_205 = arith.maximumf %max3A_198, %get3A_201 : f32
    %get3A_206 = arith.constant 30 : i32
    %get3A_207 = arith.index_cast %get3A_206 : i32 to index
    %get3A_208 = memref.load %arg4[%get3A_207] : memref<128xf32, #tpu.memory_space<smem>>
    %gt3A_209 = arith.cmpf ogt, %get3A_208, %max3A_205 : f32
    %jit3A_210 = arith.constant 30 : i32
    %select_n3A_211 = arith.select %gt3A_209, %jit3A_210, %select_n3A_204 : i32
    %max3A_212 = arith.maximumf %max3A_205, %get3A_208 : f32
    %get3A_213 = arith.constant 31 : i32
    %get3A_214 = arith.index_cast %get3A_213 : i32 to index
    %get3A_215 = memref.load %arg4[%get3A_214] : memref<128xf32, #tpu.memory_space<smem>>
    %gt3A_216 = arith.cmpf ogt, %get3A_215, %max3A_212 : f32
    %jit3A_217 = arith.constant 31 : i32
    %select_n3A_218 = arith.select %gt3A_216, %jit3A_217, %select_n3A_211 : i32
    %max3A_219 = arith.maximumf %max3A_212, %get3A_215 : f32
    %get3A_220 = arith.constant 32 : i32
    %get3A_221 = arith.index_cast %get3A_220 : i32 to index
    %get3A_222 = memref.load %arg4[%get3A_221] : memref<128xf32, #tpu.memory_space<smem>>
    %gt3A_223 = arith.cmpf ogt, %get3A_222, %max3A_219 : f32
    %jit3A_224 = arith.constant 32 : i32
    %select_n3A_225 = arith.select %gt3A_223, %jit3A_224, %select_n3A_218 : i32
    %max3A_226 = arith.maximumf %max3A_219, %get3A_222 : f32
    %get3A_227 = arith.constant 33 : i32
    %get3A_228 = arith.index_cast %get3A_227 : i32 to index
    %get3A_229 = memref.load %arg4[%get3A_228] : memref<128xf32, #tpu.memory_space<smem>>
    %gt3A_230 = arith.cmpf ogt, %get3A_229, %max3A_226 : f32
    %jit3A_231 = arith.constant 33 : i32
    %select_n3A_232 = arith.select %gt3A_230, %jit3A_231, %select_n3A_225 : i32
    %max3A_233 = arith.maximumf %max3A_226, %get3A_229 : f32
    %get3A_234 = arith.constant 34 : i32
    %get3A_235 = arith.index_cast %get3A_234 : i32 to index
    %get3A_236 = memref.load %arg4[%get3A_235] : memref<128xf32, #tpu.memory_space<smem>>
    %gt3A_237 = arith.cmpf ogt, %get3A_236, %max3A_233 : f32
    %jit3A_238 = arith.constant 34 : i32
    %select_n3A_239 = arith.select %gt3A_237, %jit3A_238, %select_n3A_232 : i32
    %max3A_240 = arith.maximumf %max3A_233, %get3A_236 : f32
    %get3A_241 = arith.constant 35 : i32
    %get3A_242 = arith.index_cast %get3A_241 : i32 to index
    %get3A_243 = memref.load %arg4[%get3A_242] : memref<128xf32, #tpu.memory_space<smem>>
    %gt3A_244 = arith.cmpf ogt, %get3A_243, %max3A_240 : f32
    %jit3A_245 = arith.constant 35 : i32
    %select_n3A_246 = arith.select %gt3A_244, %jit3A_245, %select_n3A_239 : i32
    %max3A_247 = arith.maximumf %max3A_240, %get3A_243 : f32
    %get3A_248 = arith.constant 36 : i32
    %get3A_249 = arith.index_cast %get3A_248 : i32 to index
    %get3A_250 = memref.load %arg4[%get3A_249] : memref<128xf32, #tpu.memory_space<smem>>
    %gt3A_251 = arith.cmpf ogt, %get3A_250, %max3A_247 : f32
    %jit3A_252 = arith.constant 36 : i32
    %select_n3A_253 = arith.select %gt3A_251, %jit3A_252, %select_n3A_246 : i32
    %max3A_254 = arith.maximumf %max3A_247, %get3A_250 : f32
    %get3A_255 = arith.constant 37 : i32
    %get3A_256 = arith.index_cast %get3A_255 : i32 to index
    %get3A_257 = memref.load %arg4[%get3A_256] : memref<128xf32, #tpu.memory_space<smem>>
    %gt3A_258 = arith.cmpf ogt, %get3A_257, %max3A_254 : f32
    %jit3A_259 = arith.constant 37 : i32
    %select_n3A_260 = arith.select %gt3A_258, %jit3A_259, %select_n3A_253 : i32
    %max3A_261 = arith.maximumf %max3A_254, %get3A_257 : f32
    %get3A_262 = arith.constant 38 : i32
    %get3A_263 = arith.index_cast %get3A_262 : i32 to index
    %get3A_264 = memref.load %arg4[%get3A_263] : memref<128xf32, #tpu.memory_space<smem>>
    %gt3A_265 = arith.cmpf ogt, %get3A_264, %max3A_261 : f32
    %jit3A_266 = arith.constant 38 : i32
    %select_n3A_267 = arith.select %gt3A_265, %jit3A_266, %select_n3A_260 : i32
    %max3A_268 = arith.maximumf %max3A_261, %get3A_264 : f32
    %get3A_269 = arith.constant 39 : i32
    %get3A_270 = arith.index_cast %get3A_269 : i32 to index
    %get3A_271 = memref.load %arg4[%get3A_270] : memref<128xf32, #tpu.memory_space<smem>>
    %gt3A_272 = arith.cmpf ogt, %get3A_271, %max3A_268 : f32
    %jit3A_273 = arith.constant 39 : i32
    %select_n3A_274 = arith.select %gt3A_272, %jit3A_273, %select_n3A_267 : i32
    %max3A_275 = arith.maximumf %max3A_268, %get3A_271 : f32
    %get3A_276 = arith.constant 40 : i32
    %get3A_277 = arith.index_cast %get3A_276 : i32 to index
    %get3A_278 = memref.load %arg4[%get3A_277] : memref<128xf32, #tpu.memory_space<smem>>
    %gt3A_279 = arith.cmpf ogt, %get3A_278, %max3A_275 : f32
    %jit3A_280 = arith.constant 40 : i32
    %select_n3A_281 = arith.select %gt3A_279, %jit3A_280, %select_n3A_274 : i32
    %max3A_282 = arith.maximumf %max3A_275, %get3A_278 : f32
    %get3A_283 = arith.constant 41 : i32
    %get3A_284 = arith.index_cast %get3A_283 : i32 to index
    %get3A_285 = memref.load %arg4[%get3A_284] : memref<128xf32, #tpu.memory_space<smem>>
    %gt3A_286 = arith.cmpf ogt, %get3A_285, %max3A_282 : f32
    %jit3A_287 = arith.constant 41 : i32
    %select_n3A_288 = arith.select %gt3A_286, %jit3A_287, %select_n3A_281 : i32
    %max3A_289 = arith.maximumf %max3A_282, %get3A_285 : f32
    %get3A_290 = arith.constant 42 : i32
    %get3A_291 = arith.index_cast %get3A_290 : i32 to index
    %get3A_292 = memref.load %arg4[%get3A_291] : memref<128xf32, #tpu.memory_space<smem>>
    %gt3A_293 = arith.cmpf ogt, %get3A_292, %max3A_289 : f32
    %jit3A_294 = arith.constant 42 : i32
    %select_n3A_295 = arith.select %gt3A_293, %jit3A_294, %select_n3A_288 : i32
    %max3A_296 = arith.maximumf %max3A_289, %get3A_292 : f32
    %get3A_297 = arith.constant 43 : i32
    %get3A_298 = arith.index_cast %get3A_297 : i32 to index
    %get3A_299 = memref.load %arg4[%get3A_298] : memref<128xf32, #tpu.memory_space<smem>>
    %gt3A_300 = arith.cmpf ogt, %get3A_299, %max3A_296 : f32
    %jit3A_301 = arith.constant 43 : i32
    %select_n3A_302 = arith.select %gt3A_300, %jit3A_301, %select_n3A_295 : i32
    %max3A_303 = arith.maximumf %max3A_296, %get3A_299 : f32
    %get3A_304 = arith.constant 44 : i32
    %get3A_305 = arith.index_cast %get3A_304 : i32 to index
    %get3A_306 = memref.load %arg4[%get3A_305] : memref<128xf32, #tpu.memory_space<smem>>
    %gt3A_307 = arith.cmpf ogt, %get3A_306, %max3A_303 : f32
    %jit3A_308 = arith.constant 44 : i32
    %select_n3A_309 = arith.select %gt3A_307, %jit3A_308, %select_n3A_302 : i32
    %max3A_310 = arith.maximumf %max3A_303, %get3A_306 : f32
    %get3A_311 = arith.constant 45 : i32
    %get3A_312 = arith.index_cast %get3A_311 : i32 to index
    %get3A_313 = memref.load %arg4[%get3A_312] : memref<128xf32, #tpu.memory_space<smem>>
    %gt3A_314 = arith.cmpf ogt, %get3A_313, %max3A_310 : f32
    %jit3A_315 = arith.constant 45 : i32
    %select_n3A_316 = arith.select %gt3A_314, %jit3A_315, %select_n3A_309 : i32
    %max3A_317 = arith.maximumf %max3A_310, %get3A_313 : f32
    %get3A_318 = arith.constant 46 : i32
    %get3A_319 = arith.index_cast %get3A_318 : i32 to index
    %get3A_320 = memref.load %arg4[%get3A_319] : memref<128xf32, #tpu.memory_space<smem>>
    %gt3A_321 = arith.cmpf ogt, %get3A_320, %max3A_317 : f32
    %jit3A_322 = arith.constant 46 : i32
    %select_n3A_323 = arith.select %gt3A_321, %jit3A_322, %select_n3A_316 : i32
    %max3A_324 = arith.maximumf %max3A_317, %get3A_320 : f32
    %get3A_325 = arith.constant 47 : i32
    %get3A_326 = arith.index_cast %get3A_325 : i32 to index
    %get3A_327 = memref.load %arg4[%get3A_326] : memref<128xf32, #tpu.memory_space<smem>>
    %gt3A_328 = arith.cmpf ogt, %get3A_327, %max3A_324 : f32
    %jit3A_329 = arith.constant 47 : i32
    %select_n3A_330 = arith.select %gt3A_328, %jit3A_329, %select_n3A_323 : i32
    %max3A_331 = arith.maximumf %max3A_324, %get3A_327 : f32
    %get3A_332 = arith.constant 48 : i32
    %get3A_333 = arith.index_cast %get3A_332 : i32 to index
    %get3A_334 = memref.load %arg4[%get3A_333] : memref<128xf32, #tpu.memory_space<smem>>
    %gt3A_335 = arith.cmpf ogt, %get3A_334, %max3A_331 : f32
    %jit3A_336 = arith.constant 48 : i32
    %select_n3A_337 = arith.select %gt3A_335, %jit3A_336, %select_n3A_330 : i32
    %max3A_338 = arith.maximumf %max3A_331, %get3A_334 : f32
    %get3A_339 = arith.constant 49 : i32
    %get3A_340 = arith.index_cast %get3A_339 : i32 to index
    %get3A_341 = memref.load %arg4[%get3A_340] : memref<128xf32, #tpu.memory_space<smem>>
    %gt3A_342 = arith.cmpf ogt, %get3A_341, %max3A_338 : f32
    %jit3A_343 = arith.constant 49 : i32
    %select_n3A_344 = arith.select %gt3A_342, %jit3A_343, %select_n3A_337 : i32
    %max3A_345 = arith.maximumf %max3A_338, %get3A_341 : f32
    %get3A_346 = arith.constant 50 : i32
    %get3A_347 = arith.index_cast %get3A_346 : i32 to index
    %get3A_348 = memref.load %arg4[%get3A_347] : memref<128xf32, #tpu.memory_space<smem>>
    %gt3A_349 = arith.cmpf ogt, %get3A_348, %max3A_345 : f32
    %jit3A_350 = arith.constant 50 : i32
    %select_n3A_351 = arith.select %gt3A_349, %jit3A_350, %select_n3A_344 : i32
    %max3A_352 = arith.maximumf %max3A_345, %get3A_348 : f32
    %get3A_353 = arith.constant 51 : i32
    %get3A_354 = arith.index_cast %get3A_353 : i32 to index
    %get3A_355 = memref.load %arg4[%get3A_354] : memref<128xf32, #tpu.memory_space<smem>>
    %gt3A_356 = arith.cmpf ogt, %get3A_355, %max3A_352 : f32
    %jit3A_357 = arith.constant 51 : i32
    %select_n3A_358 = arith.select %gt3A_356, %jit3A_357, %select_n3A_351 : i32
    %max3A_359 = arith.maximumf %max3A_352, %get3A_355 : f32
    %get3A_360 = arith.constant 52 : i32
    %get3A_361 = arith.index_cast %get3A_360 : i32 to index
    %get3A_362 = memref.load %arg4[%get3A_361] : memref<128xf32, #tpu.memory_space<smem>>
    %gt3A_363 = arith.cmpf ogt, %get3A_362, %max3A_359 : f32
    %jit3A_364 = arith.constant 52 : i32
    %select_n3A_365 = arith.select %gt3A_363, %jit3A_364, %select_n3A_358 : i32
    %max3A_366 = arith.maximumf %max3A_359, %get3A_362 : f32
    %get3A_367 = arith.constant 53 : i32
    %get3A_368 = arith.index_cast %get3A_367 : i32 to index
    %get3A_369 = memref.load %arg4[%get3A_368] : memref<128xf32, #tpu.memory_space<smem>>
    %gt3A_370 = arith.cmpf ogt, %get3A_369, %max3A_366 : f32
    %jit3A_371 = arith.constant 53 : i32
    %select_n3A_372 = arith.select %gt3A_370, %jit3A_371, %select_n3A_365 : i32
    %max3A_373 = arith.maximumf %max3A_366, %get3A_369 : f32
    %get3A_374 = arith.constant 54 : i32
    %get3A_375 = arith.index_cast %get3A_374 : i32 to index
    %get3A_376 = memref.load %arg4[%get3A_375] : memref<128xf32, #tpu.memory_space<smem>>
    %gt3A_377 = arith.cmpf ogt, %get3A_376, %max3A_373 : f32
    %jit3A_378 = arith.constant 54 : i32
    %select_n3A_379 = arith.select %gt3A_377, %jit3A_378, %select_n3A_372 : i32
    %max3A_380 = arith.maximumf %max3A_373, %get3A_376 : f32
    %get3A_381 = arith.constant 55 : i32
    %get3A_382 = arith.index_cast %get3A_381 : i32 to index
    %get3A_383 = memref.load %arg4[%get3A_382] : memref<128xf32, #tpu.memory_space<smem>>
    %gt3A_384 = arith.cmpf ogt, %get3A_383, %max3A_380 : f32
    %jit3A_385 = arith.constant 55 : i32
    %select_n3A_386 = arith.select %gt3A_384, %jit3A_385, %select_n3A_379 : i32
    %max3A_387 = arith.maximumf %max3A_380, %get3A_383 : f32
    %get3A_388 = arith.constant 56 : i32
    %get3A_389 = arith.index_cast %get3A_388 : i32 to index
    %get3A_390 = memref.load %arg4[%get3A_389] : memref<128xf32, #tpu.memory_space<smem>>
    %gt3A_391 = arith.cmpf ogt, %get3A_390, %max3A_387 : f32
    %jit3A_392 = arith.constant 56 : i32
    %select_n3A_393 = arith.select %gt3A_391, %jit3A_392, %select_n3A_386 : i32
    %max3A_394 = arith.maximumf %max3A_387, %get3A_390 : f32
    %get3A_395 = arith.constant 57 : i32
    %get3A_396 = arith.index_cast %get3A_395 : i32 to index
    %get3A_397 = memref.load %arg4[%get3A_396] : memref<128xf32, #tpu.memory_space<smem>>
    %gt3A_398 = arith.cmpf ogt, %get3A_397, %max3A_394 : f32
    %jit3A_399 = arith.constant 57 : i32
    %select_n3A_400 = arith.select %gt3A_398, %jit3A_399, %select_n3A_393 : i32
    %max3A_401 = arith.maximumf %max3A_394, %get3A_397 : f32
    %get3A_402 = arith.constant 58 : i32
    %get3A_403 = arith.index_cast %get3A_402 : i32 to index
    %get3A_404 = memref.load %arg4[%get3A_403] : memref<128xf32, #tpu.memory_space<smem>>
    %gt3A_405 = arith.cmpf ogt, %get3A_404, %max3A_401 : f32
    %jit3A_406 = arith.constant 58 : i32
    %select_n3A_407 = arith.select %gt3A_405, %jit3A_406, %select_n3A_400 : i32
    %max3A_408 = arith.maximumf %max3A_401, %get3A_404 : f32
    %get3A_409 = arith.constant 59 : i32
    %get3A_410 = arith.index_cast %get3A_409 : i32 to index
    %get3A_411 = memref.load %arg4[%get3A_410] : memref<128xf32, #tpu.memory_space<smem>>
    %gt3A_412 = arith.cmpf ogt, %get3A_411, %max3A_408 : f32
    %jit3A_413 = arith.constant 59 : i32
    %select_n3A_414 = arith.select %gt3A_412, %jit3A_413, %select_n3A_407 : i32
    %max3A_415 = arith.maximumf %max3A_408, %get3A_411 : f32
    %get3A_416 = arith.constant 60 : i32
    %get3A_417 = arith.index_cast %get3A_416 : i32 to index
    %get3A_418 = memref.load %arg4[%get3A_417] : memref<128xf32, #tpu.memory_space<smem>>
    %gt3A_419 = arith.cmpf ogt, %get3A_418, %max3A_415 : f32
    %jit3A_420 = arith.constant 60 : i32
    %select_n3A_421 = arith.select %gt3A_419, %jit3A_420, %select_n3A_414 : i32
    %max3A_422 = arith.maximumf %max3A_415, %get3A_418 : f32
    %get3A_423 = arith.constant 61 : i32
    %get3A_424 = arith.index_cast %get3A_423 : i32 to index
    %get3A_425 = memref.load %arg4[%get3A_424] : memref<128xf32, #tpu.memory_space<smem>>
    %gt3A_426 = arith.cmpf ogt, %get3A_425, %max3A_422 : f32
    %jit3A_427 = arith.constant 61 : i32
    %select_n3A_428 = arith.select %gt3A_426, %jit3A_427, %select_n3A_421 : i32
    %max3A_429 = arith.maximumf %max3A_422, %get3A_425 : f32
    %get3A_430 = arith.constant 62 : i32
    %get3A_431 = arith.index_cast %get3A_430 : i32 to index
    %get3A_432 = memref.load %arg4[%get3A_431] : memref<128xf32, #tpu.memory_space<smem>>
    %gt3A_433 = arith.cmpf ogt, %get3A_432, %max3A_429 : f32
    %jit3A_434 = arith.constant 62 : i32
    %select_n3A_435 = arith.select %gt3A_433, %jit3A_434, %select_n3A_428 : i32
    %max3A_436 = arith.maximumf %max3A_429, %get3A_432 : f32
    %get3A_437 = arith.constant 63 : i32
    %get3A_438 = arith.index_cast %get3A_437 : i32 to index
    %get3A_439 = memref.load %arg4[%get3A_438] : memref<128xf32, #tpu.memory_space<smem>>
    %gt3A_440 = arith.cmpf ogt, %get3A_439, %max3A_436 : f32
    %jit3A_441 = arith.constant 63 : i32
    %select_n3A_442 = arith.select %gt3A_440, %jit3A_441, %select_n3A_435 : i32
    %max3A_443 = arith.maximumf %max3A_436, %get3A_439 : f32
    %get3A_444 = arith.constant 64 : i32
    %get3A_445 = arith.index_cast %get3A_444 : i32 to index
    %get3A_446 = memref.load %arg4[%get3A_445] : memref<128xf32, #tpu.memory_space<smem>>
    %gt3A_447 = arith.cmpf ogt, %get3A_446, %max3A_443 : f32
    %jit3A_448 = arith.constant 64 : i32
    %select_n3A_449 = arith.select %gt3A_447, %jit3A_448, %select_n3A_442 : i32
    %max3A_450 = arith.maximumf %max3A_443, %get3A_446 : f32
    %get3A_451 = arith.constant 65 : i32
    %get3A_452 = arith.index_cast %get3A_451 : i32 to index
    %get3A_453 = memref.load %arg4[%get3A_452] : memref<128xf32, #tpu.memory_space<smem>>
    %gt3A_454 = arith.cmpf ogt, %get3A_453, %max3A_450 : f32
    %jit3A_455 = arith.constant 65 : i32
    %select_n3A_456 = arith.select %gt3A_454, %jit3A_455, %select_n3A_449 : i32
    %max3A_457 = arith.maximumf %max3A_450, %get3A_453 : f32
    %get3A_458 = arith.constant 66 : i32
    %get3A_459 = arith.index_cast %get3A_458 : i32 to index
    %get3A_460 = memref.load %arg4[%get3A_459] : memref<128xf32, #tpu.memory_space<smem>>
    %gt3A_461 = arith.cmpf ogt, %get3A_460, %max3A_457 : f32
    %jit3A_462 = arith.constant 66 : i32
    %select_n3A_463 = arith.select %gt3A_461, %jit3A_462, %select_n3A_456 : i32
    %max3A_464 = arith.maximumf %max3A_457, %get3A_460 : f32
    %get3A_465 = arith.constant 67 : i32
    %get3A_466 = arith.index_cast %get3A_465 : i32 to index
    %get3A_467 = memref.load %arg4[%get3A_466] : memref<128xf32, #tpu.memory_space<smem>>
    %gt3A_468 = arith.cmpf ogt, %get3A_467, %max3A_464 : f32
    %jit3A_469 = arith.constant 67 : i32
    %select_n3A_470 = arith.select %gt3A_468, %jit3A_469, %select_n3A_463 : i32
    %max3A_471 = arith.maximumf %max3A_464, %get3A_467 : f32
    %get3A_472 = arith.constant 68 : i32
    %get3A_473 = arith.index_cast %get3A_472 : i32 to index
    %get3A_474 = memref.load %arg4[%get3A_473] : memref<128xf32, #tpu.memory_space<smem>>
    %gt3A_475 = arith.cmpf ogt, %get3A_474, %max3A_471 : f32
    %jit3A_476 = arith.constant 68 : i32
    %select_n3A_477 = arith.select %gt3A_475, %jit3A_476, %select_n3A_470 : i32
    %max3A_478 = arith.maximumf %max3A_471, %get3A_474 : f32
    %get3A_479 = arith.constant 69 : i32
    %get3A_480 = arith.index_cast %get3A_479 : i32 to index
    %get3A_481 = memref.load %arg4[%get3A_480] : memref<128xf32, #tpu.memory_space<smem>>
    %gt3A_482 = arith.cmpf ogt, %get3A_481, %max3A_478 : f32
    %jit3A_483 = arith.constant 69 : i32
    %select_n3A_484 = arith.select %gt3A_482, %jit3A_483, %select_n3A_477 : i32
    %max3A_485 = arith.maximumf %max3A_478, %get3A_481 : f32
    %get3A_486 = arith.constant 70 : i32
    %get3A_487 = arith.index_cast %get3A_486 : i32 to index
    %get3A_488 = memref.load %arg4[%get3A_487] : memref<128xf32, #tpu.memory_space<smem>>
    %gt3A_489 = arith.cmpf ogt, %get3A_488, %max3A_485 : f32
    %jit3A_490 = arith.constant 70 : i32
    %select_n3A_491 = arith.select %gt3A_489, %jit3A_490, %select_n3A_484 : i32
    %max3A_492 = arith.maximumf %max3A_485, %get3A_488 : f32
    %get3A_493 = arith.constant 71 : i32
    %get3A_494 = arith.index_cast %get3A_493 : i32 to index
    %get3A_495 = memref.load %arg4[%get3A_494] : memref<128xf32, #tpu.memory_space<smem>>
    %gt3A_496 = arith.cmpf ogt, %get3A_495, %max3A_492 : f32
    %jit3A_497 = arith.constant 71 : i32
    %select_n3A_498 = arith.select %gt3A_496, %jit3A_497, %select_n3A_491 : i32
    %max3A_499 = arith.maximumf %max3A_492, %get3A_495 : f32
    %get3A_500 = arith.constant 72 : i32
    %get3A_501 = arith.index_cast %get3A_500 : i32 to index
    %get3A_502 = memref.load %arg4[%get3A_501] : memref<128xf32, #tpu.memory_space<smem>>
    %gt3A_503 = arith.cmpf ogt, %get3A_502, %max3A_499 : f32
    %jit3A_504 = arith.constant 72 : i32
    %select_n3A_505 = arith.select %gt3A_503, %jit3A_504, %select_n3A_498 : i32
    %max3A_506 = arith.maximumf %max3A_499, %get3A_502 : f32
    %get3A_507 = arith.constant 73 : i32
    %get3A_508 = arith.index_cast %get3A_507 : i32 to index
    %get3A_509 = memref.load %arg4[%get3A_508] : memref<128xf32, #tpu.memory_space<smem>>
    %gt3A_510 = arith.cmpf ogt, %get3A_509, %max3A_506 : f32
    %jit3A_511 = arith.constant 73 : i32
    %select_n3A_512 = arith.select %gt3A_510, %jit3A_511, %select_n3A_505 : i32
    %max3A_513 = arith.maximumf %max3A_506, %get3A_509 : f32
    %get3A_514 = arith.constant 74 : i32
    %get3A_515 = arith.index_cast %get3A_514 : i32 to index
    %get3A_516 = memref.load %arg4[%get3A_515] : memref<128xf32, #tpu.memory_space<smem>>
    %gt3A_517 = arith.cmpf ogt, %get3A_516, %max3A_513 : f32
    %jit3A_518 = arith.constant 74 : i32
    %select_n3A_519 = arith.select %gt3A_517, %jit3A_518, %select_n3A_512 : i32
    %max3A_520 = arith.maximumf %max3A_513, %get3A_516 : f32
    %get3A_521 = arith.constant 75 : i32
    %get3A_522 = arith.index_cast %get3A_521 : i32 to index
    %get3A_523 = memref.load %arg4[%get3A_522] : memref<128xf32, #tpu.memory_space<smem>>
    %gt3A_524 = arith.cmpf ogt, %get3A_523, %max3A_520 : f32
    %jit3A_525 = arith.constant 75 : i32
    %select_n3A_526 = arith.select %gt3A_524, %jit3A_525, %select_n3A_519 : i32
    %max3A_527 = arith.maximumf %max3A_520, %get3A_523 : f32
    %get3A_528 = arith.constant 76 : i32
    %get3A_529 = arith.index_cast %get3A_528 : i32 to index
    %get3A_530 = memref.load %arg4[%get3A_529] : memref<128xf32, #tpu.memory_space<smem>>
    %gt3A_531 = arith.cmpf ogt, %get3A_530, %max3A_527 : f32
    %jit3A_532 = arith.constant 76 : i32
    %select_n3A_533 = arith.select %gt3A_531, %jit3A_532, %select_n3A_526 : i32
    %max3A_534 = arith.maximumf %max3A_527, %get3A_530 : f32
    %get3A_535 = arith.constant 77 : i32
    %get3A_536 = arith.index_cast %get3A_535 : i32 to index
    %get3A_537 = memref.load %arg4[%get3A_536] : memref<128xf32, #tpu.memory_space<smem>>
    %gt3A_538 = arith.cmpf ogt, %get3A_537, %max3A_534 : f32
    %jit3A_539 = arith.constant 77 : i32
    %select_n3A_540 = arith.select %gt3A_538, %jit3A_539, %select_n3A_533 : i32
    %max3A_541 = arith.maximumf %max3A_534, %get3A_537 : f32
    %get3A_542 = arith.constant 78 : i32
    %get3A_543 = arith.index_cast %get3A_542 : i32 to index
    %get3A_544 = memref.load %arg4[%get3A_543] : memref<128xf32, #tpu.memory_space<smem>>
    %gt3A_545 = arith.cmpf ogt, %get3A_544, %max3A_541 : f32
    %jit3A_546 = arith.constant 78 : i32
    %select_n3A_547 = arith.select %gt3A_545, %jit3A_546, %select_n3A_540 : i32
    %max3A_548 = arith.maximumf %max3A_541, %get3A_544 : f32
    %get3A_549 = arith.constant 79 : i32
    %get3A_550 = arith.index_cast %get3A_549 : i32 to index
    %get3A_551 = memref.load %arg4[%get3A_550] : memref<128xf32, #tpu.memory_space<smem>>
    %gt3A_552 = arith.cmpf ogt, %get3A_551, %max3A_548 : f32
    %jit3A_553 = arith.constant 79 : i32
    %select_n3A_554 = arith.select %gt3A_552, %jit3A_553, %select_n3A_547 : i32
    %max3A_555 = arith.maximumf %max3A_548, %get3A_551 : f32
    %get3A_556 = arith.constant 80 : i32
    %get3A_557 = arith.index_cast %get3A_556 : i32 to index
    %get3A_558 = memref.load %arg4[%get3A_557] : memref<128xf32, #tpu.memory_space<smem>>
    %gt3A_559 = arith.cmpf ogt, %get3A_558, %max3A_555 : f32
    %jit3A_560 = arith.constant 80 : i32
    %select_n3A_561 = arith.select %gt3A_559, %jit3A_560, %select_n3A_554 : i32
    %max3A_562 = arith.maximumf %max3A_555, %get3A_558 : f32
    %get3A_563 = arith.constant 81 : i32
    %get3A_564 = arith.index_cast %get3A_563 : i32 to index
    %get3A_565 = memref.load %arg4[%get3A_564] : memref<128xf32, #tpu.memory_space<smem>>
    %gt3A_566 = arith.cmpf ogt, %get3A_565, %max3A_562 : f32
    %jit3A_567 = arith.constant 81 : i32
    %select_n3A_568 = arith.select %gt3A_566, %jit3A_567, %select_n3A_561 : i32
    %max3A_569 = arith.maximumf %max3A_562, %get3A_565 : f32
    %get3A_570 = arith.constant 82 : i32
    %get3A_571 = arith.index_cast %get3A_570 : i32 to index
    %get3A_572 = memref.load %arg4[%get3A_571] : memref<128xf32, #tpu.memory_space<smem>>
    %gt3A_573 = arith.cmpf ogt, %get3A_572, %max3A_569 : f32
    %jit3A_574 = arith.constant 82 : i32
    %select_n3A_575 = arith.select %gt3A_573, %jit3A_574, %select_n3A_568 : i32
    %max3A_576 = arith.maximumf %max3A_569, %get3A_572 : f32
    %get3A_577 = arith.constant 83 : i32
    %get3A_578 = arith.index_cast %get3A_577 : i32 to index
    %get3A_579 = memref.load %arg4[%get3A_578] : memref<128xf32, #tpu.memory_space<smem>>
    %gt3A_580 = arith.cmpf ogt, %get3A_579, %max3A_576 : f32
    %jit3A_581 = arith.constant 83 : i32
    %select_n3A_582 = arith.select %gt3A_580, %jit3A_581, %select_n3A_575 : i32
    %max3A_583 = arith.maximumf %max3A_576, %get3A_579 : f32
    %get3A_584 = arith.constant 84 : i32
    %get3A_585 = arith.index_cast %get3A_584 : i32 to index
    %get3A_586 = memref.load %arg4[%get3A_585] : memref<128xf32, #tpu.memory_space<smem>>
    %gt3A_587 = arith.cmpf ogt, %get3A_586, %max3A_583 : f32
    %jit3A_588 = arith.constant 84 : i32
    %select_n3A_589 = arith.select %gt3A_587, %jit3A_588, %select_n3A_582 : i32
    %max3A_590 = arith.maximumf %max3A_583, %get3A_586 : f32
    %get3A_591 = arith.constant 85 : i32
    %get3A_592 = arith.index_cast %get3A_591 : i32 to index
    %get3A_593 = memref.load %arg4[%get3A_592] : memref<128xf32, #tpu.memory_space<smem>>
    %gt3A_594 = arith.cmpf ogt, %get3A_593, %max3A_590 : f32
    %jit3A_595 = arith.constant 85 : i32
    %select_n3A_596 = arith.select %gt3A_594, %jit3A_595, %select_n3A_589 : i32
    %max3A_597 = arith.maximumf %max3A_590, %get3A_593 : f32
    %get3A_598 = arith.constant 86 : i32
    %get3A_599 = arith.index_cast %get3A_598 : i32 to index
    %get3A_600 = memref.load %arg4[%get3A_599] : memref<128xf32, #tpu.memory_space<smem>>
    %gt3A_601 = arith.cmpf ogt, %get3A_600, %max3A_597 : f32
    %jit3A_602 = arith.constant 86 : i32
    %select_n3A_603 = arith.select %gt3A_601, %jit3A_602, %select_n3A_596 : i32
    %max3A_604 = arith.maximumf %max3A_597, %get3A_600 : f32
    %get3A_605 = arith.constant 87 : i32
    %get3A_606 = arith.index_cast %get3A_605 : i32 to index
    %get3A_607 = memref.load %arg4[%get3A_606] : memref<128xf32, #tpu.memory_space<smem>>
    %gt3A_608 = arith.cmpf ogt, %get3A_607, %max3A_604 : f32
    %jit3A_609 = arith.constant 87 : i32
    %select_n3A_610 = arith.select %gt3A_608, %jit3A_609, %select_n3A_603 : i32
    %max3A_611 = arith.maximumf %max3A_604, %get3A_607 : f32
    %get3A_612 = arith.constant 88 : i32
    %get3A_613 = arith.index_cast %get3A_612 : i32 to index
    %get3A_614 = memref.load %arg4[%get3A_613] : memref<128xf32, #tpu.memory_space<smem>>
    %gt3A_615 = arith.cmpf ogt, %get3A_614, %max3A_611 : f32
    %jit3A_616 = arith.constant 88 : i32
    %select_n3A_617 = arith.select %gt3A_615, %jit3A_616, %select_n3A_610 : i32
    %max3A_618 = arith.maximumf %max3A_611, %get3A_614 : f32
    %get3A_619 = arith.constant 89 : i32
    %get3A_620 = arith.index_cast %get3A_619 : i32 to index
    %get3A_621 = memref.load %arg4[%get3A_620] : memref<128xf32, #tpu.memory_space<smem>>
    %gt3A_622 = arith.cmpf ogt, %get3A_621, %max3A_618 : f32
    %jit3A_623 = arith.constant 89 : i32
    %select_n3A_624 = arith.select %gt3A_622, %jit3A_623, %select_n3A_617 : i32
    %max3A_625 = arith.maximumf %max3A_618, %get3A_621 : f32
    %get3A_626 = arith.constant 90 : i32
    %get3A_627 = arith.index_cast %get3A_626 : i32 to index
    %get3A_628 = memref.load %arg4[%get3A_627] : memref<128xf32, #tpu.memory_space<smem>>
    %gt3A_629 = arith.cmpf ogt, %get3A_628, %max3A_625 : f32
    %jit3A_630 = arith.constant 90 : i32
    %select_n3A_631 = arith.select %gt3A_629, %jit3A_630, %select_n3A_624 : i32
    %max3A_632 = arith.maximumf %max3A_625, %get3A_628 : f32
    %get3A_633 = arith.constant 91 : i32
    %get3A_634 = arith.index_cast %get3A_633 : i32 to index
    %get3A_635 = memref.load %arg4[%get3A_634] : memref<128xf32, #tpu.memory_space<smem>>
    %gt3A_636 = arith.cmpf ogt, %get3A_635, %max3A_632 : f32
    %jit3A_637 = arith.constant 91 : i32
    %select_n3A_638 = arith.select %gt3A_636, %jit3A_637, %select_n3A_631 : i32
    %max3A_639 = arith.maximumf %max3A_632, %get3A_635 : f32
    %get3A_640 = arith.constant 92 : i32
    %get3A_641 = arith.index_cast %get3A_640 : i32 to index
    %get3A_642 = memref.load %arg4[%get3A_641] : memref<128xf32, #tpu.memory_space<smem>>
    %gt3A_643 = arith.cmpf ogt, %get3A_642, %max3A_639 : f32
    %jit3A_644 = arith.constant 92 : i32
    %select_n3A_645 = arith.select %gt3A_643, %jit3A_644, %select_n3A_638 : i32
    %max3A_646 = arith.maximumf %max3A_639, %get3A_642 : f32
    %get3A_647 = arith.constant 93 : i32
    %get3A_648 = arith.index_cast %get3A_647 : i32 to index
    %get3A_649 = memref.load %arg4[%get3A_648] : memref<128xf32, #tpu.memory_space<smem>>
    %gt3A_650 = arith.cmpf ogt, %get3A_649, %max3A_646 : f32
    %jit3A_651 = arith.constant 93 : i32
    %select_n3A_652 = arith.select %gt3A_650, %jit3A_651, %select_n3A_645 : i32
    %max3A_653 = arith.maximumf %max3A_646, %get3A_649 : f32
    %get3A_654 = arith.constant 94 : i32
    %get3A_655 = arith.index_cast %get3A_654 : i32 to index
    %get3A_656 = memref.load %arg4[%get3A_655] : memref<128xf32, #tpu.memory_space<smem>>
    %gt3A_657 = arith.cmpf ogt, %get3A_656, %max3A_653 : f32
    %jit3A_658 = arith.constant 94 : i32
    %select_n3A_659 = arith.select %gt3A_657, %jit3A_658, %select_n3A_652 : i32
    %max3A_660 = arith.maximumf %max3A_653, %get3A_656 : f32
    %get3A_661 = arith.constant 95 : i32
    %get3A_662 = arith.index_cast %get3A_661 : i32 to index
    %get3A_663 = memref.load %arg4[%get3A_662] : memref<128xf32, #tpu.memory_space<smem>>
    %gt3A_664 = arith.cmpf ogt, %get3A_663, %max3A_660 : f32
    %jit3A_665 = arith.constant 95 : i32
    %select_n3A_666 = arith.select %gt3A_664, %jit3A_665, %select_n3A_659 : i32
    %max3A_667 = arith.maximumf %max3A_660, %get3A_663 : f32
    %get3A_668 = arith.constant 96 : i32
    %get3A_669 = arith.index_cast %get3A_668 : i32 to index
    %get3A_670 = memref.load %arg4[%get3A_669] : memref<128xf32, #tpu.memory_space<smem>>
    %gt3A_671 = arith.cmpf ogt, %get3A_670, %max3A_667 : f32
    %jit3A_672 = arith.constant 96 : i32
    %select_n3A_673 = arith.select %gt3A_671, %jit3A_672, %select_n3A_666 : i32
    %max3A_674 = arith.maximumf %max3A_667, %get3A_670 : f32
    %get3A_675 = arith.constant 97 : i32
    %get3A_676 = arith.index_cast %get3A_675 : i32 to index
    %get3A_677 = memref.load %arg4[%get3A_676] : memref<128xf32, #tpu.memory_space<smem>>
    %gt3A_678 = arith.cmpf ogt, %get3A_677, %max3A_674 : f32
    %jit3A_679 = arith.constant 97 : i32
    %select_n3A_680 = arith.select %gt3A_678, %jit3A_679, %select_n3A_673 : i32
    %max3A_681 = arith.maximumf %max3A_674, %get3A_677 : f32
    %get3A_682 = arith.constant 98 : i32
    %get3A_683 = arith.index_cast %get3A_682 : i32 to index
    %get3A_684 = memref.load %arg4[%get3A_683] : memref<128xf32, #tpu.memory_space<smem>>
    %gt3A_685 = arith.cmpf ogt, %get3A_684, %max3A_681 : f32
    %jit3A_686 = arith.constant 98 : i32
    %select_n3A_687 = arith.select %gt3A_685, %jit3A_686, %select_n3A_680 : i32
    %max3A_688 = arith.maximumf %max3A_681, %get3A_684 : f32
    %get3A_689 = arith.constant 99 : i32
    %get3A_690 = arith.index_cast %get3A_689 : i32 to index
    %get3A_691 = memref.load %arg4[%get3A_690] : memref<128xf32, #tpu.memory_space<smem>>
    %gt3A_692 = arith.cmpf ogt, %get3A_691, %max3A_688 : f32
    %jit3A_693 = arith.constant 99 : i32
    %select_n3A_694 = arith.select %gt3A_692, %jit3A_693, %select_n3A_687 : i32
    %max3A_695 = arith.maximumf %max3A_688, %get3A_691 : f32
    %get3A_696 = arith.constant 100 : i32
    %get3A_697 = arith.index_cast %get3A_696 : i32 to index
    %get3A_698 = memref.load %arg4[%get3A_697] : memref<128xf32, #tpu.memory_space<smem>>
    %gt3A_699 = arith.cmpf ogt, %get3A_698, %max3A_695 : f32
    %jit3A_700 = arith.constant 100 : i32
    %select_n3A_701 = arith.select %gt3A_699, %jit3A_700, %select_n3A_694 : i32
    %max3A_702 = arith.maximumf %max3A_695, %get3A_698 : f32
    %get3A_703 = arith.constant 101 : i32
    %get3A_704 = arith.index_cast %get3A_703 : i32 to index
    %get3A_705 = memref.load %arg4[%get3A_704] : memref<128xf32, #tpu.memory_space<smem>>
    %gt3A_706 = arith.cmpf ogt, %get3A_705, %max3A_702 : f32
    %jit3A_707 = arith.constant 101 : i32
    %select_n3A_708 = arith.select %gt3A_706, %jit3A_707, %select_n3A_701 : i32
    %max3A_709 = arith.maximumf %max3A_702, %get3A_705 : f32
    %get3A_710 = arith.constant 102 : i32
    %get3A_711 = arith.index_cast %get3A_710 : i32 to index
    %get3A_712 = memref.load %arg4[%get3A_711] : memref<128xf32, #tpu.memory_space<smem>>
    %gt3A_713 = arith.cmpf ogt, %get3A_712, %max3A_709 : f32
    %jit3A_714 = arith.constant 102 : i32
    %select_n3A_715 = arith.select %gt3A_713, %jit3A_714, %select_n3A_708 : i32
    %max3A_716 = arith.maximumf %max3A_709, %get3A_712 : f32
    %get3A_717 = arith.constant 103 : i32
    %get3A_718 = arith.index_cast %get3A_717 : i32 to index
    %get3A_719 = memref.load %arg4[%get3A_718] : memref<128xf32, #tpu.memory_space<smem>>
    %gt3A_720 = arith.cmpf ogt, %get3A_719, %max3A_716 : f32
    %jit3A_721 = arith.constant 103 : i32
    %select_n3A_722 = arith.select %gt3A_720, %jit3A_721, %select_n3A_715 : i32
    %max3A_723 = arith.maximumf %max3A_716, %get3A_719 : f32
    %get3A_724 = arith.constant 104 : i32
    %get3A_725 = arith.index_cast %get3A_724 : i32 to index
    %get3A_726 = memref.load %arg4[%get3A_725] : memref<128xf32, #tpu.memory_space<smem>>
    %gt3A_727 = arith.cmpf ogt, %get3A_726, %max3A_723 : f32
    %jit3A_728 = arith.constant 104 : i32
    %select_n3A_729 = arith.select %gt3A_727, %jit3A_728, %select_n3A_722 : i32
    %max3A_730 = arith.maximumf %max3A_723, %get3A_726 : f32
    %get3A_731 = arith.constant 105 : i32
    %get3A_732 = arith.index_cast %get3A_731 : i32 to index
    %get3A_733 = memref.load %arg4[%get3A_732] : memref<128xf32, #tpu.memory_space<smem>>
    %gt3A_734 = arith.cmpf ogt, %get3A_733, %max3A_730 : f32
    %jit3A_735 = arith.constant 105 : i32
    %select_n3A_736 = arith.select %gt3A_734, %jit3A_735, %select_n3A_729 : i32
    %max3A_737 = arith.maximumf %max3A_730, %get3A_733 : f32
    %get3A_738 = arith.constant 106 : i32
    %get3A_739 = arith.index_cast %get3A_738 : i32 to index
    %get3A_740 = memref.load %arg4[%get3A_739] : memref<128xf32, #tpu.memory_space<smem>>
    %gt3A_741 = arith.cmpf ogt, %get3A_740, %max3A_737 : f32
    %jit3A_742 = arith.constant 106 : i32
    %select_n3A_743 = arith.select %gt3A_741, %jit3A_742, %select_n3A_736 : i32
    %max3A_744 = arith.maximumf %max3A_737, %get3A_740 : f32
    %get3A_745 = arith.constant 107 : i32
    %get3A_746 = arith.index_cast %get3A_745 : i32 to index
    %get3A_747 = memref.load %arg4[%get3A_746] : memref<128xf32, #tpu.memory_space<smem>>
    %gt3A_748 = arith.cmpf ogt, %get3A_747, %max3A_744 : f32
    %jit3A_749 = arith.constant 107 : i32
    %select_n3A_750 = arith.select %gt3A_748, %jit3A_749, %select_n3A_743 : i32
    %max3A_751 = arith.maximumf %max3A_744, %get3A_747 : f32
    %get3A_752 = arith.constant 108 : i32
    %get3A_753 = arith.index_cast %get3A_752 : i32 to index
    %get3A_754 = memref.load %arg4[%get3A_753] : memref<128xf32, #tpu.memory_space<smem>>
    %gt3A_755 = arith.cmpf ogt, %get3A_754, %max3A_751 : f32
    %jit3A_756 = arith.constant 108 : i32
    %select_n3A_757 = arith.select %gt3A_755, %jit3A_756, %select_n3A_750 : i32
    %max3A_758 = arith.maximumf %max3A_751, %get3A_754 : f32
    %get3A_759 = arith.constant 109 : i32
    %get3A_760 = arith.index_cast %get3A_759 : i32 to index
    %get3A_761 = memref.load %arg4[%get3A_760] : memref<128xf32, #tpu.memory_space<smem>>
    %gt3A_762 = arith.cmpf ogt, %get3A_761, %max3A_758 : f32
    %jit3A_763 = arith.constant 109 : i32
    %select_n3A_764 = arith.select %gt3A_762, %jit3A_763, %select_n3A_757 : i32
    %max3A_765 = arith.maximumf %max3A_758, %get3A_761 : f32
    %get3A_766 = arith.constant 110 : i32
    %get3A_767 = arith.index_cast %get3A_766 : i32 to index
    %get3A_768 = memref.load %arg4[%get3A_767] : memref<128xf32, #tpu.memory_space<smem>>
    %gt3A_769 = arith.cmpf ogt, %get3A_768, %max3A_765 : f32
    %jit3A_770 = arith.constant 110 : i32
    %select_n3A_771 = arith.select %gt3A_769, %jit3A_770, %select_n3A_764 : i32
    %max3A_772 = arith.maximumf %max3A_765, %get3A_768 : f32
    %get3A_773 = arith.constant 111 : i32
    %get3A_774 = arith.index_cast %get3A_773 : i32 to index
    %get3A_775 = memref.load %arg4[%get3A_774] : memref<128xf32, #tpu.memory_space<smem>>
    %gt3A_776 = arith.cmpf ogt, %get3A_775, %max3A_772 : f32
    %jit3A_777 = arith.constant 111 : i32
    %select_n3A_778 = arith.select %gt3A_776, %jit3A_777, %select_n3A_771 : i32
    %max3A_779 = arith.maximumf %max3A_772, %get3A_775 : f32
    %get3A_780 = arith.constant 112 : i32
    %get3A_781 = arith.index_cast %get3A_780 : i32 to index
    %get3A_782 = memref.load %arg4[%get3A_781] : memref<128xf32, #tpu.memory_space<smem>>
    %gt3A_783 = arith.cmpf ogt, %get3A_782, %max3A_779 : f32
    %jit3A_784 = arith.constant 112 : i32
    %select_n3A_785 = arith.select %gt3A_783, %jit3A_784, %select_n3A_778 : i32
    %max3A_786 = arith.maximumf %max3A_779, %get3A_782 : f32
    %get3A_787 = arith.constant 113 : i32
    %get3A_788 = arith.index_cast %get3A_787 : i32 to index
    %get3A_789 = memref.load %arg4[%get3A_788] : memref<128xf32, #tpu.memory_space<smem>>
    %gt3A_790 = arith.cmpf ogt, %get3A_789, %max3A_786 : f32
    %jit3A_791 = arith.constant 113 : i32
    %select_n3A_792 = arith.select %gt3A_790, %jit3A_791, %select_n3A_785 : i32
    %max3A_793 = arith.maximumf %max3A_786, %get3A_789 : f32
    %get3A_794 = arith.constant 114 : i32
    %get3A_795 = arith.index_cast %get3A_794 : i32 to index
    %get3A_796 = memref.load %arg4[%get3A_795] : memref<128xf32, #tpu.memory_space<smem>>
    %gt3A_797 = arith.cmpf ogt, %get3A_796, %max3A_793 : f32
    %jit3A_798 = arith.constant 114 : i32
    %select_n3A_799 = arith.select %gt3A_797, %jit3A_798, %select_n3A_792 : i32
    %max3A_800 = arith.maximumf %max3A_793, %get3A_796 : f32
    %get3A_801 = arith.constant 115 : i32
    %get3A_802 = arith.index_cast %get3A_801 : i32 to index
    %get3A_803 = memref.load %arg4[%get3A_802] : memref<128xf32, #tpu.memory_space<smem>>
    %gt3A_804 = arith.cmpf ogt, %get3A_803, %max3A_800 : f32
    %jit3A_805 = arith.constant 115 : i32
    %select_n3A_806 = arith.select %gt3A_804, %jit3A_805, %select_n3A_799 : i32
    %max3A_807 = arith.maximumf %max3A_800, %get3A_803 : f32
    %get3A_808 = arith.constant 116 : i32
    %get3A_809 = arith.index_cast %get3A_808 : i32 to index
    %get3A_810 = memref.load %arg4[%get3A_809] : memref<128xf32, #tpu.memory_space<smem>>
    %gt3A_811 = arith.cmpf ogt, %get3A_810, %max3A_807 : f32
    %jit3A_812 = arith.constant 116 : i32
    %select_n3A_813 = arith.select %gt3A_811, %jit3A_812, %select_n3A_806 : i32
    %max3A_814 = arith.maximumf %max3A_807, %get3A_810 : f32
    %get3A_815 = arith.constant 117 : i32
    %get3A_816 = arith.index_cast %get3A_815 : i32 to index
    %get3A_817 = memref.load %arg4[%get3A_816] : memref<128xf32, #tpu.memory_space<smem>>
    %gt3A_818 = arith.cmpf ogt, %get3A_817, %max3A_814 : f32
    %jit3A_819 = arith.constant 117 : i32
    %select_n3A_820 = arith.select %gt3A_818, %jit3A_819, %select_n3A_813 : i32
    %max3A_821 = arith.maximumf %max3A_814, %get3A_817 : f32
    %get3A_822 = arith.constant 118 : i32
    %get3A_823 = arith.index_cast %get3A_822 : i32 to index
    %get3A_824 = memref.load %arg4[%get3A_823] : memref<128xf32, #tpu.memory_space<smem>>
    %gt3A_825 = arith.cmpf ogt, %get3A_824, %max3A_821 : f32
    %jit3A_826 = arith.constant 118 : i32
    %select_n3A_827 = arith.select %gt3A_825, %jit3A_826, %select_n3A_820 : i32
    %max3A_828 = arith.maximumf %max3A_821, %get3A_824 : f32
    %get3A_829 = arith.constant 119 : i32
    %get3A_830 = arith.index_cast %get3A_829 : i32 to index
    %get3A_831 = memref.load %arg4[%get3A_830] : memref<128xf32, #tpu.memory_space<smem>>
    %gt3A_832 = arith.cmpf ogt, %get3A_831, %max3A_828 : f32
    %jit3A_833 = arith.constant 119 : i32
    %select_n3A_834 = arith.select %gt3A_832, %jit3A_833, %select_n3A_827 : i32
    %max3A_835 = arith.maximumf %max3A_828, %get3A_831 : f32
    %get3A_836 = arith.constant 120 : i32
    %get3A_837 = arith.index_cast %get3A_836 : i32 to index
    %get3A_838 = memref.load %arg4[%get3A_837] : memref<128xf32, #tpu.memory_space<smem>>
    %gt3A_839 = arith.cmpf ogt, %get3A_838, %max3A_835 : f32
    %jit3A_840 = arith.constant 120 : i32
    %select_n3A_841 = arith.select %gt3A_839, %jit3A_840, %select_n3A_834 : i32
    %max3A_842 = arith.maximumf %max3A_835, %get3A_838 : f32
    %get3A_843 = arith.constant 121 : i32
    %get3A_844 = arith.index_cast %get3A_843 : i32 to index
    %get3A_845 = memref.load %arg4[%get3A_844] : memref<128xf32, #tpu.memory_space<smem>>
    %gt3A_846 = arith.cmpf ogt, %get3A_845, %max3A_842 : f32
    %jit3A_847 = arith.constant 121 : i32
    %select_n3A_848 = arith.select %gt3A_846, %jit3A_847, %select_n3A_841 : i32
    %max3A_849 = arith.maximumf %max3A_842, %get3A_845 : f32
    %get3A_850 = arith.constant 122 : i32
    %get3A_851 = arith.index_cast %get3A_850 : i32 to index
    %get3A_852 = memref.load %arg4[%get3A_851] : memref<128xf32, #tpu.memory_space<smem>>
    %gt3A_853 = arith.cmpf ogt, %get3A_852, %max3A_849 : f32
    %jit3A_854 = arith.constant 122 : i32
    %select_n3A_855 = arith.select %gt3A_853, %jit3A_854, %select_n3A_848 : i32
    %max3A_856 = arith.maximumf %max3A_849, %get3A_852 : f32
    %get3A_857 = arith.constant 123 : i32
    %get3A_858 = arith.index_cast %get3A_857 : i32 to index
    %get3A_859 = memref.load %arg4[%get3A_858] : memref<128xf32, #tpu.memory_space<smem>>
    %gt3A_860 = arith.cmpf ogt, %get3A_859, %max3A_856 : f32
    %jit3A_861 = arith.constant 123 : i32
    %select_n3A_862 = arith.select %gt3A_860, %jit3A_861, %select_n3A_855 : i32
    %max3A_863 = arith.maximumf %max3A_856, %get3A_859 : f32
    %get3A_864 = arith.constant 124 : i32
    %get3A_865 = arith.index_cast %get3A_864 : i32 to index
    %get3A_866 = memref.load %arg4[%get3A_865] : memref<128xf32, #tpu.memory_space<smem>>
    %gt3A_867 = arith.cmpf ogt, %get3A_866, %max3A_863 : f32
    %jit3A_868 = arith.constant 124 : i32
    %select_n3A_869 = arith.select %gt3A_867, %jit3A_868, %select_n3A_862 : i32
    %max3A_870 = arith.maximumf %max3A_863, %get3A_866 : f32
    %get3A_871 = arith.constant 125 : i32
    %get3A_872 = arith.index_cast %get3A_871 : i32 to index
    %get3A_873 = memref.load %arg4[%get3A_872] : memref<128xf32, #tpu.memory_space<smem>>
    %gt3A_874 = arith.cmpf ogt, %get3A_873, %max3A_870 : f32
    %jit3A_875 = arith.constant 125 : i32
    %select_n3A_876 = arith.select %gt3A_874, %jit3A_875, %select_n3A_869 : i32
    %max3A_877 = arith.maximumf %max3A_870, %get3A_873 : f32
    %get3A_878 = arith.constant 126 : i32
    %get3A_879 = arith.index_cast %get3A_878 : i32 to index
    %get3A_880 = memref.load %arg4[%get3A_879] : memref<128xf32, #tpu.memory_space<smem>>
    %gt3A_881 = arith.cmpf ogt, %get3A_880, %max3A_877 : f32
    %jit3A_882 = arith.constant 126 : i32
    %select_n3A_883 = arith.select %gt3A_881, %jit3A_882, %select_n3A_876 : i32
    %max3A_884 = arith.maximumf %max3A_877, %get3A_880 : f32
    %get3A_885 = arith.constant 127 : i32
    %get3A_886 = arith.index_cast %get3A_885 : i32 to index
    %get3A_887 = memref.load %arg4[%get3A_886] : memref<128xf32, #tpu.memory_space<smem>>
    %gt3A_888 = arith.cmpf ogt, %get3A_887, %max3A_884 : f32
    %jit3A_889 = arith.constant 127 : i32
    %select_n3A_890 = arith.select %gt3A_888, %jit3A_889, %select_n3A_883 : i32
    %max3A_891 = arith.maximumf %max3A_884, %get3A_887 : f32
    %dma_wait3A_892 = arith.constant 128 : i32
    %dma_wait3A_893 = tpu.memref_slice %arg2[%dma_wait3A_892] : memref<256xf32, #tpu.memory_space<hbm>> -> memref<128xf32, #tpu.memory_space<hbm>>
    tpu.wait_dma2 semaphore(%arg8 : memref<!tpu.dma_semaphore, #tpu.memory_space<semaphore_mem>>) src(%dma_wait3A_893 : memref<128xf32, #tpu.memory_space<hbm>>) dst(%arg5 : memref<128xf32, #tpu.memory_space<smem>>)
    %get3A_894 = arith.constant 0 : i32
    %get3A_895 = arith.index_cast %get3A_894 : i32 to index
    %get3A_896 = memref.load %arg5[%get3A_895] : memref<128xf32, #tpu.memory_space<smem>>
    %gt3A_897 = arith.cmpf ogt, %get3A_896, %max3A_891 : f32
    %jit3A_898 = arith.constant 128 : i32
    %select_n3A_899 = arith.select %gt3A_897, %jit3A_898, %select_n3A_890 : i32
    %max3A_900 = arith.maximumf %max3A_891, %get3A_896 : f32
    %get3A_901 = arith.constant 1 : i32
    %get3A_902 = arith.index_cast %get3A_901 : i32 to index
    %get3A_903 = memref.load %arg5[%get3A_902] : memref<128xf32, #tpu.memory_space<smem>>
    %gt3A_904 = arith.cmpf ogt, %get3A_903, %max3A_900 : f32
    %jit3A_905 = arith.constant 129 : i32
    %select_n3A_906 = arith.select %gt3A_904, %jit3A_905, %select_n3A_899 : i32
    %max3A_907 = arith.maximumf %max3A_900, %get3A_903 : f32
    %get3A_908 = arith.constant 2 : i32
    %get3A_909 = arith.index_cast %get3A_908 : i32 to index
    %get3A_910 = memref.load %arg5[%get3A_909] : memref<128xf32, #tpu.memory_space<smem>>
    %gt3A_911 = arith.cmpf ogt, %get3A_910, %max3A_907 : f32
    %jit3A_912 = arith.constant 130 : i32
    %select_n3A_913 = arith.select %gt3A_911, %jit3A_912, %select_n3A_906 : i32
    %max3A_914 = arith.maximumf %max3A_907, %get3A_910 : f32
    %get3A_915 = arith.constant 3 : i32
    %get3A_916 = arith.index_cast %get3A_915 : i32 to index
    %get3A_917 = memref.load %arg5[%get3A_916] : memref<128xf32, #tpu.memory_space<smem>>
    %gt3A_918 = arith.cmpf ogt, %get3A_917, %max3A_914 : f32
    %jit3A_919 = arith.constant 131 : i32
    %select_n3A_920 = arith.select %gt3A_918, %jit3A_919, %select_n3A_913 : i32
    %max3A_921 = arith.maximumf %max3A_914, %get3A_917 : f32
    %get3A_922 = arith.constant 4 : i32
    %get3A_923 = arith.index_cast %get3A_922 : i32 to index
    %get3A_924 = memref.load %arg5[%get3A_923] : memref<128xf32, #tpu.memory_space<smem>>
    %gt3A_925 = arith.cmpf ogt, %get3A_924, %max3A_921 : f32
    %jit3A_926 = arith.constant 132 : i32
    %select_n3A_927 = arith.select %gt3A_925, %jit3A_926, %select_n3A_920 : i32
    %max3A_928 = arith.maximumf %max3A_921, %get3A_924 : f32
    %get3A_929 = arith.constant 5 : i32
    %get3A_930 = arith.index_cast %get3A_929 : i32 to index
    %get3A_931 = memref.load %arg5[%get3A_930] : memref<128xf32, #tpu.memory_space<smem>>
    %gt3A_932 = arith.cmpf ogt, %get3A_931, %max3A_928 : f32
    %jit3A_933 = arith.constant 133 : i32
    %select_n3A_934 = arith.select %gt3A_932, %jit3A_933, %select_n3A_927 : i32
    %max3A_935 = arith.maximumf %max3A_928, %get3A_931 : f32
    %get3A_936 = arith.constant 6 : i32
    %get3A_937 = arith.index_cast %get3A_936 : i32 to index
    %get3A_938 = memref.load %arg5[%get3A_937] : memref<128xf32, #tpu.memory_space<smem>>
    %gt3A_939 = arith.cmpf ogt, %get3A_938, %max3A_935 : f32
    %jit3A_940 = arith.constant 134 : i32
    %select_n3A_941 = arith.select %gt3A_939, %jit3A_940, %select_n3A_934 : i32
    %max3A_942 = arith.maximumf %max3A_935, %get3A_938 : f32
    %get3A_943 = arith.constant 7 : i32
    %get3A_944 = arith.index_cast %get3A_943 : i32 to index
    %get3A_945 = memref.load %arg5[%get3A_944] : memref<128xf32, #tpu.memory_space<smem>>
    %gt3A_946 = arith.cmpf ogt, %get3A_945, %max3A_942 : f32
    %jit3A_947 = arith.constant 135 : i32
    %select_n3A_948 = arith.select %gt3A_946, %jit3A_947, %select_n3A_941 : i32
    %max3A_949 = arith.maximumf %max3A_942, %get3A_945 : f32
    %get3A_950 = arith.constant 8 : i32
    %get3A_951 = arith.index_cast %get3A_950 : i32 to index
    %get3A_952 = memref.load %arg5[%get3A_951] : memref<128xf32, #tpu.memory_space<smem>>
    %gt3A_953 = arith.cmpf ogt, %get3A_952, %max3A_949 : f32
    %jit3A_954 = arith.constant 136 : i32
    %select_n3A_955 = arith.select %gt3A_953, %jit3A_954, %select_n3A_948 : i32
    %max3A_956 = arith.maximumf %max3A_949, %get3A_952 : f32
    %get3A_957 = arith.constant 9 : i32
    %get3A_958 = arith.index_cast %get3A_957 : i32 to index
    %get3A_959 = memref.load %arg5[%get3A_958] : memref<128xf32, #tpu.memory_space<smem>>
    %gt3A_960 = arith.cmpf ogt, %get3A_959, %max3A_956 : f32
    %jit3A_961 = arith.constant 137 : i32
    %select_n3A_962 = arith.select %gt3A_960, %jit3A_961, %select_n3A_955 : i32
    %max3A_963 = arith.maximumf %max3A_956, %get3A_959 : f32
    %get3A_964 = arith.constant 10 : i32
    %get3A_965 = arith.index_cast %get3A_964 : i32 to index
    %get3A_966 = memref.load %arg5[%get3A_965] : memref<128xf32, #tpu.memory_space<smem>>
    %gt3A_967 = arith.cmpf ogt, %get3A_966, %max3A_963 : f32
    %jit3A_968 = arith.constant 138 : i32
    %select_n3A_969 = arith.select %gt3A_967, %jit3A_968, %select_n3A_962 : i32
    %max3A_970 = arith.maximumf %max3A_963, %get3A_966 : f32
    %get3A_971 = arith.constant 11 : i32
    %get3A_972 = arith.index_cast %get3A_971 : i32 to index
    %get3A_973 = memref.load %arg5[%get3A_972] : memref<128xf32, #tpu.memory_space<smem>>
    %gt3A_974 = arith.cmpf ogt, %get3A_973, %max3A_970 : f32
    %jit3A_975 = arith.constant 139 : i32
    %select_n3A_976 = arith.select %gt3A_974, %jit3A_975, %select_n3A_969 : i32
    %max3A_977 = arith.maximumf %max3A_970, %get3A_973 : f32
    %get3A_978 = arith.constant 12 : i32
    %get3A_979 = arith.index_cast %get3A_978 : i32 to index
    %get3A_980 = memref.load %arg5[%get3A_979] : memref<128xf32, #tpu.memory_space<smem>>
    %gt3A_981 = arith.cmpf ogt, %get3A_980, %max3A_977 : f32
    %jit3A_982 = arith.constant 140 : i32
    %select_n3A_983 = arith.select %gt3A_981, %jit3A_982, %select_n3A_976 : i32
    %max3A_984 = arith.maximumf %max3A_977, %get3A_980 : f32
    %get3A_985 = arith.constant 13 : i32
    %get3A_986 = arith.index_cast %get3A_985 : i32 to index
    %get3A_987 = memref.load %arg5[%get3A_986] : memref<128xf32, #tpu.memory_space<smem>>
    %gt3A_988 = arith.cmpf ogt, %get3A_987, %max3A_984 : f32
    %jit3A_989 = arith.constant 141 : i32
    %select_n3A_990 = arith.select %gt3A_988, %jit3A_989, %select_n3A_983 : i32
    %max3A_991 = arith.maximumf %max3A_984, %get3A_987 : f32
    %get3A_992 = arith.constant 14 : i32
    %get3A_993 = arith.index_cast %get3A_992 : i32 to index
    %get3A_994 = memref.load %arg5[%get3A_993] : memref<128xf32, #tpu.memory_space<smem>>
    %gt3A_995 = arith.cmpf ogt, %get3A_994, %max3A_991 : f32
    %jit3A_996 = arith.constant 142 : i32
    %select_n3A_997 = arith.select %gt3A_995, %jit3A_996, %select_n3A_990 : i32
    %max3A_998 = arith.maximumf %max3A_991, %get3A_994 : f32
    %get3A_999 = arith.constant 15 : i32
    %get3A_1000 = arith.index_cast %get3A_999 : i32 to index
    %get3A_1001 = memref.load %arg5[%get3A_1000] : memref<128xf32, #tpu.memory_space<smem>>
    %gt3A_1002 = arith.cmpf ogt, %get3A_1001, %max3A_998 : f32
    %jit3A_1003 = arith.constant 143 : i32
    %select_n3A_1004 = arith.select %gt3A_1002, %jit3A_1003, %select_n3A_997 : i32
    %max3A_1005 = arith.maximumf %max3A_998, %get3A_1001 : f32
    %get3A_1006 = arith.constant 16 : i32
    %get3A_1007 = arith.index_cast %get3A_1006 : i32 to index
    %get3A_1008 = memref.load %arg5[%get3A_1007] : memref<128xf32, #tpu.memory_space<smem>>
    %gt3A_1009 = arith.cmpf ogt, %get3A_1008, %max3A_1005 : f32
    %jit3A_1010 = arith.constant 144 : i32
    %select_n3A_1011 = arith.select %gt3A_1009, %jit3A_1010, %select_n3A_1004 : i32
    %max3A_1012 = arith.maximumf %max3A_1005, %get3A_1008 : f32
    %get3A_1013 = arith.constant 17 : i32
    %get3A_1014 = arith.index_cast %get3A_1013 : i32 to index
    %get3A_1015 = memref.load %arg5[%get3A_1014] : memref<128xf32, #tpu.memory_space<smem>>
    %gt3A_1016 = arith.cmpf ogt, %get3A_1015, %max3A_1012 : f32
    %jit3A_1017 = arith.constant 145 : i32
    %select_n3A_1018 = arith.select %gt3A_1016, %jit3A_1017, %select_n3A_1011 : i32
    %max3A_1019 = arith.maximumf %max3A_1012, %get3A_1015 : f32
    %get3A_1020 = arith.constant 18 : i32
    %get3A_1021 = arith.index_cast %get3A_1020 : i32 to index
    %get3A_1022 = memref.load %arg5[%get3A_1021] : memref<128xf32, #tpu.memory_space<smem>>
    %gt3A_1023 = arith.cmpf ogt, %get3A_1022, %max3A_1019 : f32
    %jit3A_1024 = arith.constant 146 : i32
    %select_n3A_1025 = arith.select %gt3A_1023, %jit3A_1024, %select_n3A_1018 : i32
    %max3A_1026 = arith.maximumf %max3A_1019, %get3A_1022 : f32
    %get3A_1027 = arith.constant 19 : i32
    %get3A_1028 = arith.index_cast %get3A_1027 : i32 to index
    %get3A_1029 = memref.load %arg5[%get3A_1028] : memref<128xf32, #tpu.memory_space<smem>>
    %gt3A_1030 = arith.cmpf ogt, %get3A_1029, %max3A_1026 : f32
    %jit3A_1031 = arith.constant 147 : i32
    %select_n3A_1032 = arith.select %gt3A_1030, %jit3A_1031, %select_n3A_1025 : i32
    %max3A_1033 = arith.maximumf %max3A_1026, %get3A_1029 : f32
    %get3A_1034 = arith.constant 20 : i32
    %get3A_1035 = arith.index_cast %get3A_1034 : i32 to index
    %get3A_1036 = memref.load %arg5[%get3A_1035] : memref<128xf32, #tpu.memory_space<smem>>
    %gt3A_1037 = arith.cmpf ogt, %get3A_1036, %max3A_1033 : f32
    %jit3A_1038 = arith.constant 148 : i32
    %select_n3A_1039 = arith.select %gt3A_1037, %jit3A_1038, %select_n3A_1032 : i32
    %max3A_1040 = arith.maximumf %max3A_1033, %get3A_1036 : f32
    %get3A_1041 = arith.constant 21 : i32
    %get3A_1042 = arith.index_cast %get3A_1041 : i32 to index
    %get3A_1043 = memref.load %arg5[%get3A_1042] : memref<128xf32, #tpu.memory_space<smem>>
    %gt3A_1044 = arith.cmpf ogt, %get3A_1043, %max3A_1040 : f32
    %jit3A_1045 = arith.constant 149 : i32
    %select_n3A_1046 = arith.select %gt3A_1044, %jit3A_1045, %select_n3A_1039 : i32
    %max3A_1047 = arith.maximumf %max3A_1040, %get3A_1043 : f32
    %get3A_1048 = arith.constant 22 : i32
    %get3A_1049 = arith.index_cast %get3A_1048 : i32 to index
    %get3A_1050 = memref.load %arg5[%get3A_1049] : memref<128xf32, #tpu.memory_space<smem>>
    %gt3A_1051 = arith.cmpf ogt, %get3A_1050, %max3A_1047 : f32
    %jit3A_1052 = arith.constant 150 : i32
    %select_n3A_1053 = arith.select %gt3A_1051, %jit3A_1052, %select_n3A_1046 : i32
    %max3A_1054 = arith.maximumf %max3A_1047, %get3A_1050 : f32
    %get3A_1055 = arith.constant 23 : i32
    %get3A_1056 = arith.index_cast %get3A_1055 : i32 to index
    %get3A_1057 = memref.load %arg5[%get3A_1056] : memref<128xf32, #tpu.memory_space<smem>>
    %gt3A_1058 = arith.cmpf ogt, %get3A_1057, %max3A_1054 : f32
    %jit3A_1059 = arith.constant 151 : i32
    %select_n3A_1060 = arith.select %gt3A_1058, %jit3A_1059, %select_n3A_1053 : i32
    %max3A_1061 = arith.maximumf %max3A_1054, %get3A_1057 : f32
    %get3A_1062 = arith.constant 24 : i32
    %get3A_1063 = arith.index_cast %get3A_1062 : i32 to index
    %get3A_1064 = memref.load %arg5[%get3A_1063] : memref<128xf32, #tpu.memory_space<smem>>
    %gt3A_1065 = arith.cmpf ogt, %get3A_1064, %max3A_1061 : f32
    %jit3A_1066 = arith.constant 152 : i32
    %select_n3A_1067 = arith.select %gt3A_1065, %jit3A_1066, %select_n3A_1060 : i32
    %max3A_1068 = arith.maximumf %max3A_1061, %get3A_1064 : f32
    %get3A_1069 = arith.constant 25 : i32
    %get3A_1070 = arith.index_cast %get3A_1069 : i32 to index
    %get3A_1071 = memref.load %arg5[%get3A_1070] : memref<128xf32, #tpu.memory_space<smem>>
    %gt3A_1072 = arith.cmpf ogt, %get3A_1071, %max3A_1068 : f32
    %jit3A_1073 = arith.constant 153 : i32
    %select_n3A_1074 = arith.select %gt3A_1072, %jit3A_1073, %select_n3A_1067 : i32
    %max3A_1075 = arith.maximumf %max3A_1068, %get3A_1071 : f32
    %get3A_1076 = arith.constant 26 : i32
    %get3A_1077 = arith.index_cast %get3A_1076 : i32 to index
    %get3A_1078 = memref.load %arg5[%get3A_1077] : memref<128xf32, #tpu.memory_space<smem>>
    %gt3A_1079 = arith.cmpf ogt, %get3A_1078, %max3A_1075 : f32
    %jit3A_1080 = arith.constant 154 : i32
    %select_n3A_1081 = arith.select %gt3A_1079, %jit3A_1080, %select_n3A_1074 : i32
    %max3A_1082 = arith.maximumf %max3A_1075, %get3A_1078 : f32
    %get3A_1083 = arith.constant 27 : i32
    %get3A_1084 = arith.index_cast %get3A_1083 : i32 to index
    %get3A_1085 = memref.load %arg5[%get3A_1084] : memref<128xf32, #tpu.memory_space<smem>>
    %gt3A_1086 = arith.cmpf ogt, %get3A_1085, %max3A_1082 : f32
    %jit3A_1087 = arith.constant 155 : i32
    %select_n3A_1088 = arith.select %gt3A_1086, %jit3A_1087, %select_n3A_1081 : i32
    %max3A_1089 = arith.maximumf %max3A_1082, %get3A_1085 : f32
    %get3A_1090 = arith.constant 28 : i32
    %get3A_1091 = arith.index_cast %get3A_1090 : i32 to index
    %get3A_1092 = memref.load %arg5[%get3A_1091] : memref<128xf32, #tpu.memory_space<smem>>
    %gt3A_1093 = arith.cmpf ogt, %get3A_1092, %max3A_1089 : f32
    %jit3A_1094 = arith.constant 156 : i32
    %select_n3A_1095 = arith.select %gt3A_1093, %jit3A_1094, %select_n3A_1088 : i32
    %max3A_1096 = arith.maximumf %max3A_1089, %get3A_1092 : f32
    %get3A_1097 = arith.constant 29 : i32
    %get3A_1098 = arith.index_cast %get3A_1097 : i32 to index
    %get3A_1099 = memref.load %arg5[%get3A_1098] : memref<128xf32, #tpu.memory_space<smem>>
    %gt3A_1100 = arith.cmpf ogt, %get3A_1099, %max3A_1096 : f32
    %jit3A_1101 = arith.constant 157 : i32
    %select_n3A_1102 = arith.select %gt3A_1100, %jit3A_1101, %select_n3A_1095 : i32
    %max3A_1103 = arith.maximumf %max3A_1096, %get3A_1099 : f32
    %get3A_1104 = arith.constant 30 : i32
    %get3A_1105 = arith.index_cast %get3A_1104 : i32 to index
    %get3A_1106 = memref.load %arg5[%get3A_1105] : memref<128xf32, #tpu.memory_space<smem>>
    %gt3A_1107 = arith.cmpf ogt, %get3A_1106, %max3A_1103 : f32
    %jit3A_1108 = arith.constant 158 : i32
    %select_n3A_1109 = arith.select %gt3A_1107, %jit3A_1108, %select_n3A_1102 : i32
    %max3A_1110 = arith.maximumf %max3A_1103, %get3A_1106 : f32
    %get3A_1111 = arith.constant 31 : i32
    %get3A_1112 = arith.index_cast %get3A_1111 : i32 to index
    %get3A_1113 = memref.load %arg5[%get3A_1112] : memref<128xf32, #tpu.memory_space<smem>>
    %gt3A_1114 = arith.cmpf ogt, %get3A_1113, %max3A_1110 : f32
    %jit3A_1115 = arith.constant 159 : i32
    %select_n3A_1116 = arith.select %gt3A_1114, %jit3A_1115, %select_n3A_1109 : i32
    %max3A_1117 = arith.maximumf %max3A_1110, %get3A_1113 : f32
    %get3A_1118 = arith.constant 32 : i32
    %get3A_1119 = arith.index_cast %get3A_1118 : i32 to index
    %get3A_1120 = memref.load %arg5[%get3A_1119] : memref<128xf32, #tpu.memory_space<smem>>
    %gt3A_1121 = arith.cmpf ogt, %get3A_1120, %max3A_1117 : f32
    %jit3A_1122 = arith.constant 160 : i32
    %select_n3A_1123 = arith.select %gt3A_1121, %jit3A_1122, %select_n3A_1116 : i32
    %max3A_1124 = arith.maximumf %max3A_1117, %get3A_1120 : f32
    %get3A_1125 = arith.constant 33 : i32
    %get3A_1126 = arith.index_cast %get3A_1125 : i32 to index
    %get3A_1127 = memref.load %arg5[%get3A_1126] : memref<128xf32, #tpu.memory_space<smem>>
    %gt3A_1128 = arith.cmpf ogt, %get3A_1127, %max3A_1124 : f32
    %jit3A_1129 = arith.constant 161 : i32
    %select_n3A_1130 = arith.select %gt3A_1128, %jit3A_1129, %select_n3A_1123 : i32
    %max3A_1131 = arith.maximumf %max3A_1124, %get3A_1127 : f32
    %get3A_1132 = arith.constant 34 : i32
    %get3A_1133 = arith.index_cast %get3A_1132 : i32 to index
    %get3A_1134 = memref.load %arg5[%get3A_1133] : memref<128xf32, #tpu.memory_space<smem>>
    %gt3A_1135 = arith.cmpf ogt, %get3A_1134, %max3A_1131 : f32
    %jit3A_1136 = arith.constant 162 : i32
    %select_n3A_1137 = arith.select %gt3A_1135, %jit3A_1136, %select_n3A_1130 : i32
    %max3A_1138 = arith.maximumf %max3A_1131, %get3A_1134 : f32
    %get3A_1139 = arith.constant 35 : i32
    %get3A_1140 = arith.index_cast %get3A_1139 : i32 to index
    %get3A_1141 = memref.load %arg5[%get3A_1140] : memref<128xf32, #tpu.memory_space<smem>>
    %gt3A_1142 = arith.cmpf ogt, %get3A_1141, %max3A_1138 : f32
    %jit3A_1143 = arith.constant 163 : i32
    %select_n3A_1144 = arith.select %gt3A_1142, %jit3A_1143, %select_n3A_1137 : i32
    %max3A_1145 = arith.maximumf %max3A_1138, %get3A_1141 : f32
    %get3A_1146 = arith.constant 36 : i32
    %get3A_1147 = arith.index_cast %get3A_1146 : i32 to index
    %get3A_1148 = memref.load %arg5[%get3A_1147] : memref<128xf32, #tpu.memory_space<smem>>
    %gt3A_1149 = arith.cmpf ogt, %get3A_1148, %max3A_1145 : f32
    %jit3A_1150 = arith.constant 164 : i32
    %select_n3A_1151 = arith.select %gt3A_1149, %jit3A_1150, %select_n3A_1144 : i32
    %max3A_1152 = arith.maximumf %max3A_1145, %get3A_1148 : f32
    %get3A_1153 = arith.constant 37 : i32
    %get3A_1154 = arith.index_cast %get3A_1153 : i32 to index
    %get3A_1155 = memref.load %arg5[%get3A_1154] : memref<128xf32, #tpu.memory_space<smem>>
    %gt3A_1156 = arith.cmpf ogt, %get3A_1155, %max3A_1152 : f32
    %jit3A_1157 = arith.constant 165 : i32
    %select_n3A_1158 = arith.select %gt3A_1156, %jit3A_1157, %select_n3A_1151 : i32
    %max3A_1159 = arith.maximumf %max3A_1152, %get3A_1155 : f32
    %get3A_1160 = arith.constant 38 : i32
    %get3A_1161 = arith.index_cast %get3A_1160 : i32 to index
    %get3A_1162 = memref.load %arg5[%get3A_1161] : memref<128xf32, #tpu.memory_space<smem>>
    %gt3A_1163 = arith.cmpf ogt, %get3A_1162, %max3A_1159 : f32
    %jit3A_1164 = arith.constant 166 : i32
    %select_n3A_1165 = arith.select %gt3A_1163, %jit3A_1164, %select_n3A_1158 : i32
    %max3A_1166 = arith.maximumf %max3A_1159, %get3A_1162 : f32
    %get3A_1167 = arith.constant 39 : i32
    %get3A_1168 = arith.index_cast %get3A_1167 : i32 to index
    %get3A_1169 = memref.load %arg5[%get3A_1168] : memref<128xf32, #tpu.memory_space<smem>>
    %gt3A_1170 = arith.cmpf ogt, %get3A_1169, %max3A_1166 : f32
    %jit3A_1171 = arith.constant 167 : i32
    %select_n3A_1172 = arith.select %gt3A_1170, %jit3A_1171, %select_n3A_1165 : i32
    %max3A_1173 = arith.maximumf %max3A_1166, %get3A_1169 : f32
    %get3A_1174 = arith.constant 40 : i32
    %get3A_1175 = arith.index_cast %get3A_1174 : i32 to index
    %get3A_1176 = memref.load %arg5[%get3A_1175] : memref<128xf32, #tpu.memory_space<smem>>
    %gt3A_1177 = arith.cmpf ogt, %get3A_1176, %max3A_1173 : f32
    %jit3A_1178 = arith.constant 168 : i32
    %select_n3A_1179 = arith.select %gt3A_1177, %jit3A_1178, %select_n3A_1172 : i32
    %max3A_1180 = arith.maximumf %max3A_1173, %get3A_1176 : f32
    %get3A_1181 = arith.constant 41 : i32
    %get3A_1182 = arith.index_cast %get3A_1181 : i32 to index
    %get3A_1183 = memref.load %arg5[%get3A_1182] : memref<128xf32, #tpu.memory_space<smem>>
    %gt3A_1184 = arith.cmpf ogt, %get3A_1183, %max3A_1180 : f32
    %jit3A_1185 = arith.constant 169 : i32
    %select_n3A_1186 = arith.select %gt3A_1184, %jit3A_1185, %select_n3A_1179 : i32
    %max3A_1187 = arith.maximumf %max3A_1180, %get3A_1183 : f32
    %get3A_1188 = arith.constant 42 : i32
    %get3A_1189 = arith.index_cast %get3A_1188 : i32 to index
    %get3A_1190 = memref.load %arg5[%get3A_1189] : memref<128xf32, #tpu.memory_space<smem>>
    %gt3A_1191 = arith.cmpf ogt, %get3A_1190, %max3A_1187 : f32
    %jit3A_1192 = arith.constant 170 : i32
    %select_n3A_1193 = arith.select %gt3A_1191, %jit3A_1192, %select_n3A_1186 : i32
    %max3A_1194 = arith.maximumf %max3A_1187, %get3A_1190 : f32
    %get3A_1195 = arith.constant 43 : i32
    %get3A_1196 = arith.index_cast %get3A_1195 : i32 to index
    %get3A_1197 = memref.load %arg5[%get3A_1196] : memref<128xf32, #tpu.memory_space<smem>>
    %gt3A_1198 = arith.cmpf ogt, %get3A_1197, %max3A_1194 : f32
    %jit3A_1199 = arith.constant 171 : i32
    %select_n3A_1200 = arith.select %gt3A_1198, %jit3A_1199, %select_n3A_1193 : i32
    %max3A_1201 = arith.maximumf %max3A_1194, %get3A_1197 : f32
    %get3A_1202 = arith.constant 44 : i32
    %get3A_1203 = arith.index_cast %get3A_1202 : i32 to index
    %get3A_1204 = memref.load %arg5[%get3A_1203] : memref<128xf32, #tpu.memory_space<smem>>
    %gt3A_1205 = arith.cmpf ogt, %get3A_1204, %max3A_1201 : f32
    %jit3A_1206 = arith.constant 172 : i32
    %select_n3A_1207 = arith.select %gt3A_1205, %jit3A_1206, %select_n3A_1200 : i32
    %max3A_1208 = arith.maximumf %max3A_1201, %get3A_1204 : f32
    %get3A_1209 = arith.constant 45 : i32
    %get3A_1210 = arith.index_cast %get3A_1209 : i32 to index
    %get3A_1211 = memref.load %arg5[%get3A_1210] : memref<128xf32, #tpu.memory_space<smem>>
    %gt3A_1212 = arith.cmpf ogt, %get3A_1211, %max3A_1208 : f32
    %jit3A_1213 = arith.constant 173 : i32
    %select_n3A_1214 = arith.select %gt3A_1212, %jit3A_1213, %select_n3A_1207 : i32
    %max3A_1215 = arith.maximumf %max3A_1208, %get3A_1211 : f32
    %get3A_1216 = arith.constant 46 : i32
    %get3A_1217 = arith.index_cast %get3A_1216 : i32 to index
    %get3A_1218 = memref.load %arg5[%get3A_1217] : memref<128xf32, #tpu.memory_space<smem>>
    %gt3A_1219 = arith.cmpf ogt, %get3A_1218, %max3A_1215 : f32
    %jit3A_1220 = arith.constant 174 : i32
    %select_n3A_1221 = arith.select %gt3A_1219, %jit3A_1220, %select_n3A_1214 : i32
    %max3A_1222 = arith.maximumf %max3A_1215, %get3A_1218 : f32
    %get3A_1223 = arith.constant 47 : i32
    %get3A_1224 = arith.index_cast %get3A_1223 : i32 to index
    %get3A_1225 = memref.load %arg5[%get3A_1224] : memref<128xf32, #tpu.memory_space<smem>>
    %gt3A_1226 = arith.cmpf ogt, %get3A_1225, %max3A_1222 : f32
    %jit3A_1227 = arith.constant 175 : i32
    %select_n3A_1228 = arith.select %gt3A_1226, %jit3A_1227, %select_n3A_1221 : i32
    %max3A_1229 = arith.maximumf %max3A_1222, %get3A_1225 : f32
    %get3A_1230 = arith.constant 48 : i32
    %get3A_1231 = arith.index_cast %get3A_1230 : i32 to index
    %get3A_1232 = memref.load %arg5[%get3A_1231] : memref<128xf32, #tpu.memory_space<smem>>
    %gt3A_1233 = arith.cmpf ogt, %get3A_1232, %max3A_1229 : f32
    %jit3A_1234 = arith.constant 176 : i32
    %select_n3A_1235 = arith.select %gt3A_1233, %jit3A_1234, %select_n3A_1228 : i32
    %max3A_1236 = arith.maximumf %max3A_1229, %get3A_1232 : f32
    %get3A_1237 = arith.constant 49 : i32
    %get3A_1238 = arith.index_cast %get3A_1237 : i32 to index
    %get3A_1239 = memref.load %arg5[%get3A_1238] : memref<128xf32, #tpu.memory_space<smem>>
    %gt3A_1240 = arith.cmpf ogt, %get3A_1239, %max3A_1236 : f32
    %jit3A_1241 = arith.constant 177 : i32
    %select_n3A_1242 = arith.select %gt3A_1240, %jit3A_1241, %select_n3A_1235 : i32
    %max3A_1243 = arith.maximumf %max3A_1236, %get3A_1239 : f32
    %get3A_1244 = arith.constant 50 : i32
    %get3A_1245 = arith.index_cast %get3A_1244 : i32 to index
    %get3A_1246 = memref.load %arg5[%get3A_1245] : memref<128xf32, #tpu.memory_space<smem>>
    %gt3A_1247 = arith.cmpf ogt, %get3A_1246, %max3A_1243 : f32
    %jit3A_1248 = arith.constant 178 : i32
    %select_n3A_1249 = arith.select %gt3A_1247, %jit3A_1248, %select_n3A_1242 : i32
    %max3A_1250 = arith.maximumf %max3A_1243, %get3A_1246 : f32
    %get3A_1251 = arith.constant 51 : i32
    %get3A_1252 = arith.index_cast %get3A_1251 : i32 to index
    %get3A_1253 = memref.load %arg5[%get3A_1252] : memref<128xf32, #tpu.memory_space<smem>>
    %gt3A_1254 = arith.cmpf ogt, %get3A_1253, %max3A_1250 : f32
    %jit3A_1255 = arith.constant 179 : i32
    %select_n3A_1256 = arith.select %gt3A_1254, %jit3A_1255, %select_n3A_1249 : i32
    %max3A_1257 = arith.maximumf %max3A_1250, %get3A_1253 : f32
    %get3A_1258 = arith.constant 52 : i32
    %get3A_1259 = arith.index_cast %get3A_1258 : i32 to index
    %get3A_1260 = memref.load %arg5[%get3A_1259] : memref<128xf32, #tpu.memory_space<smem>>
    %gt3A_1261 = arith.cmpf ogt, %get3A_1260, %max3A_1257 : f32
    %jit3A_1262 = arith.constant 180 : i32
    %select_n3A_1263 = arith.select %gt3A_1261, %jit3A_1262, %select_n3A_1256 : i32
    %max3A_1264 = arith.maximumf %max3A_1257, %get3A_1260 : f32
    %get3A_1265 = arith.constant 53 : i32
    %get3A_1266 = arith.index_cast %get3A_1265 : i32 to index
    %get3A_1267 = memref.load %arg5[%get3A_1266] : memref<128xf32, #tpu.memory_space<smem>>
    %gt3A_1268 = arith.cmpf ogt, %get3A_1267, %max3A_1264 : f32
    %jit3A_1269 = arith.constant 181 : i32
    %select_n3A_1270 = arith.select %gt3A_1268, %jit3A_1269, %select_n3A_1263 : i32
    %max3A_1271 = arith.maximumf %max3A_1264, %get3A_1267 : f32
    %get3A_1272 = arith.constant 54 : i32
    %get3A_1273 = arith.index_cast %get3A_1272 : i32 to index
    %get3A_1274 = memref.load %arg5[%get3A_1273] : memref<128xf32, #tpu.memory_space<smem>>
    %gt3A_1275 = arith.cmpf ogt, %get3A_1274, %max3A_1271 : f32
    %jit3A_1276 = arith.constant 182 : i32
    %select_n3A_1277 = arith.select %gt3A_1275, %jit3A_1276, %select_n3A_1270 : i32
    %max3A_1278 = arith.maximumf %max3A_1271, %get3A_1274 : f32
    %get3A_1279 = arith.constant 55 : i32
    %get3A_1280 = arith.index_cast %get3A_1279 : i32 to index
    %get3A_1281 = memref.load %arg5[%get3A_1280] : memref<128xf32, #tpu.memory_space<smem>>
    %gt3A_1282 = arith.cmpf ogt, %get3A_1281, %max3A_1278 : f32
    %jit3A_1283 = arith.constant 183 : i32
    %select_n3A_1284 = arith.select %gt3A_1282, %jit3A_1283, %select_n3A_1277 : i32
    %max3A_1285 = arith.maximumf %max3A_1278, %get3A_1281 : f32
    %get3A_1286 = arith.constant 56 : i32
    %get3A_1287 = arith.index_cast %get3A_1286 : i32 to index
    %get3A_1288 = memref.load %arg5[%get3A_1287] : memref<128xf32, #tpu.memory_space<smem>>
    %gt3A_1289 = arith.cmpf ogt, %get3A_1288, %max3A_1285 : f32
    %jit3A_1290 = arith.constant 184 : i32
    %select_n3A_1291 = arith.select %gt3A_1289, %jit3A_1290, %select_n3A_1284 : i32
    %max3A_1292 = arith.maximumf %max3A_1285, %get3A_1288 : f32
    %get3A_1293 = arith.constant 57 : i32
    %get3A_1294 = arith.index_cast %get3A_1293 : i32 to index
    %get3A_1295 = memref.load %arg5[%get3A_1294] : memref<128xf32, #tpu.memory_space<smem>>
    %gt3A_1296 = arith.cmpf ogt, %get3A_1295, %max3A_1292 : f32
    %jit3A_1297 = arith.constant 185 : i32
    %select_n3A_1298 = arith.select %gt3A_1296, %jit3A_1297, %select_n3A_1291 : i32
    %max3A_1299 = arith.maximumf %max3A_1292, %get3A_1295 : f32
    %get3A_1300 = arith.constant 58 : i32
    %get3A_1301 = arith.index_cast %get3A_1300 : i32 to index
    %get3A_1302 = memref.load %arg5[%get3A_1301] : memref<128xf32, #tpu.memory_space<smem>>
    %gt3A_1303 = arith.cmpf ogt, %get3A_1302, %max3A_1299 : f32
    %jit3A_1304 = arith.constant 186 : i32
    %select_n3A_1305 = arith.select %gt3A_1303, %jit3A_1304, %select_n3A_1298 : i32
    %max3A_1306 = arith.maximumf %max3A_1299, %get3A_1302 : f32
    %get3A_1307 = arith.constant 59 : i32
    %get3A_1308 = arith.index_cast %get3A_1307 : i32 to index
    %get3A_1309 = memref.load %arg5[%get3A_1308] : memref<128xf32, #tpu.memory_space<smem>>
    %gt3A_1310 = arith.cmpf ogt, %get3A_1309, %max3A_1306 : f32
    %jit3A_1311 = arith.constant 187 : i32
    %select_n3A_1312 = arith.select %gt3A_1310, %jit3A_1311, %select_n3A_1305 : i32
    %max3A_1313 = arith.maximumf %max3A_1306, %get3A_1309 : f32
    %get3A_1314 = arith.constant 60 : i32
    %get3A_1315 = arith.index_cast %get3A_1314 : i32 to index
    %get3A_1316 = memref.load %arg5[%get3A_1315] : memref<128xf32, #tpu.memory_space<smem>>
    %gt3A_1317 = arith.cmpf ogt, %get3A_1316, %max3A_1313 : f32
    %jit3A_1318 = arith.constant 188 : i32
    %select_n3A_1319 = arith.select %gt3A_1317, %jit3A_1318, %select_n3A_1312 : i32
    %max3A_1320 = arith.maximumf %max3A_1313, %get3A_1316 : f32
    %get3A_1321 = arith.constant 61 : i32
    %get3A_1322 = arith.index_cast %get3A_1321 : i32 to index
    %get3A_1323 = memref.load %arg5[%get3A_1322] : memref<128xf32, #tpu.memory_space<smem>>
    %gt3A_1324 = arith.cmpf ogt, %get3A_1323, %max3A_1320 : f32
    %jit3A_1325 = arith.constant 189 : i32
    %select_n3A_1326 = arith.select %gt3A_1324, %jit3A_1325, %select_n3A_1319 : i32
    %max3A_1327 = arith.maximumf %max3A_1320, %get3A_1323 : f32
    %get3A_1328 = arith.constant 62 : i32
    %get3A_1329 = arith.index_cast %get3A_1328 : i32 to index
    %get3A_1330 = memref.load %arg5[%get3A_1329] : memref<128xf32, #tpu.memory_space<smem>>
    %gt3A_1331 = arith.cmpf ogt, %get3A_1330, %max3A_1327 : f32
    %jit3A_1332 = arith.constant 190 : i32
    %select_n3A_1333 = arith.select %gt3A_1331, %jit3A_1332, %select_n3A_1326 : i32
    %max3A_1334 = arith.maximumf %max3A_1327, %get3A_1330 : f32
    %get3A_1335 = arith.constant 63 : i32
    %get3A_1336 = arith.index_cast %get3A_1335 : i32 to index
    %get3A_1337 = memref.load %arg5[%get3A_1336] : memref<128xf32, #tpu.memory_space<smem>>
    %gt3A_1338 = arith.cmpf ogt, %get3A_1337, %max3A_1334 : f32
    %jit3A_1339 = arith.constant 191 : i32
    %select_n3A_1340 = arith.select %gt3A_1338, %jit3A_1339, %select_n3A_1333 : i32
    %max3A_1341 = arith.maximumf %max3A_1334, %get3A_1337 : f32
    %get3A_1342 = arith.constant 64 : i32
    %get3A_1343 = arith.index_cast %get3A_1342 : i32 to index
    %get3A_1344 = memref.load %arg5[%get3A_1343] : memref<128xf32, #tpu.memory_space<smem>>
    %gt3A_1345 = arith.cmpf ogt, %get3A_1344, %max3A_1341 : f32
    %jit3A_1346 = arith.constant 192 : i32
    %select_n3A_1347 = arith.select %gt3A_1345, %jit3A_1346, %select_n3A_1340 : i32
    %max3A_1348 = arith.maximumf %max3A_1341, %get3A_1344 : f32
    %get3A_1349 = arith.constant 65 : i32
    %get3A_1350 = arith.index_cast %get3A_1349 : i32 to index
    %get3A_1351 = memref.load %arg5[%get3A_1350] : memref<128xf32, #tpu.memory_space<smem>>
    %gt3A_1352 = arith.cmpf ogt, %get3A_1351, %max3A_1348 : f32
    %jit3A_1353 = arith.constant 193 : i32
    %select_n3A_1354 = arith.select %gt3A_1352, %jit3A_1353, %select_n3A_1347 : i32
    %max3A_1355 = arith.maximumf %max3A_1348, %get3A_1351 : f32
    %get3A_1356 = arith.constant 66 : i32
    %get3A_1357 = arith.index_cast %get3A_1356 : i32 to index
    %get3A_1358 = memref.load %arg5[%get3A_1357] : memref<128xf32, #tpu.memory_space<smem>>
    %gt3A_1359 = arith.cmpf ogt, %get3A_1358, %max3A_1355 : f32
    %jit3A_1360 = arith.constant 194 : i32
    %select_n3A_1361 = arith.select %gt3A_1359, %jit3A_1360, %select_n3A_1354 : i32
    %max3A_1362 = arith.maximumf %max3A_1355, %get3A_1358 : f32
    %get3A_1363 = arith.constant 67 : i32
    %get3A_1364 = arith.index_cast %get3A_1363 : i32 to index
    %get3A_1365 = memref.load %arg5[%get3A_1364] : memref<128xf32, #tpu.memory_space<smem>>
    %gt3A_1366 = arith.cmpf ogt, %get3A_1365, %max3A_1362 : f32
    %jit3A_1367 = arith.constant 195 : i32
    %select_n3A_1368 = arith.select %gt3A_1366, %jit3A_1367, %select_n3A_1361 : i32
    %max3A_1369 = arith.maximumf %max3A_1362, %get3A_1365 : f32
    %get3A_1370 = arith.constant 68 : i32
    %get3A_1371 = arith.index_cast %get3A_1370 : i32 to index
    %get3A_1372 = memref.load %arg5[%get3A_1371] : memref<128xf32, #tpu.memory_space<smem>>
    %gt3A_1373 = arith.cmpf ogt, %get3A_1372, %max3A_1369 : f32
    %jit3A_1374 = arith.constant 196 : i32
    %select_n3A_1375 = arith.select %gt3A_1373, %jit3A_1374, %select_n3A_1368 : i32
    %max3A_1376 = arith.maximumf %max3A_1369, %get3A_1372 : f32
    %get3A_1377 = arith.constant 69 : i32
    %get3A_1378 = arith.index_cast %get3A_1377 : i32 to index
    %get3A_1379 = memref.load %arg5[%get3A_1378] : memref<128xf32, #tpu.memory_space<smem>>
    %gt3A_1380 = arith.cmpf ogt, %get3A_1379, %max3A_1376 : f32
    %jit3A_1381 = arith.constant 197 : i32
    %select_n3A_1382 = arith.select %gt3A_1380, %jit3A_1381, %select_n3A_1375 : i32
    %max3A_1383 = arith.maximumf %max3A_1376, %get3A_1379 : f32
    %get3A_1384 = arith.constant 70 : i32
    %get3A_1385 = arith.index_cast %get3A_1384 : i32 to index
    %get3A_1386 = memref.load %arg5[%get3A_1385] : memref<128xf32, #tpu.memory_space<smem>>
    %gt3A_1387 = arith.cmpf ogt, %get3A_1386, %max3A_1383 : f32
    %jit3A_1388 = arith.constant 198 : i32
    %select_n3A_1389 = arith.select %gt3A_1387, %jit3A_1388, %select_n3A_1382 : i32
    %max3A_1390 = arith.maximumf %max3A_1383, %get3A_1386 : f32
    %get3A_1391 = arith.constant 71 : i32
    %get3A_1392 = arith.index_cast %get3A_1391 : i32 to index
    %get3A_1393 = memref.load %arg5[%get3A_1392] : memref<128xf32, #tpu.memory_space<smem>>
    %gt3A_1394 = arith.cmpf ogt, %get3A_1393, %max3A_1390 : f32
    %jit3A_1395 = arith.constant 199 : i32
    %select_n3A_1396 = arith.select %gt3A_1394, %jit3A_1395, %select_n3A_1389 : i32
    %max3A_1397 = arith.maximumf %max3A_1390, %get3A_1393 : f32
    %get3A_1398 = arith.constant 72 : i32
    %get3A_1399 = arith.index_cast %get3A_1398 : i32 to index
    %get3A_1400 = memref.load %arg5[%get3A_1399] : memref<128xf32, #tpu.memory_space<smem>>
    %gt3A_1401 = arith.cmpf ogt, %get3A_1400, %max3A_1397 : f32
    %jit3A_1402 = arith.constant 200 : i32
    %select_n3A_1403 = arith.select %gt3A_1401, %jit3A_1402, %select_n3A_1396 : i32
    %max3A_1404 = arith.maximumf %max3A_1397, %get3A_1400 : f32
    %get3A_1405 = arith.constant 73 : i32
    %get3A_1406 = arith.index_cast %get3A_1405 : i32 to index
    %get3A_1407 = memref.load %arg5[%get3A_1406] : memref<128xf32, #tpu.memory_space<smem>>
    %gt3A_1408 = arith.cmpf ogt, %get3A_1407, %max3A_1404 : f32
    %jit3A_1409 = arith.constant 201 : i32
    %select_n3A_1410 = arith.select %gt3A_1408, %jit3A_1409, %select_n3A_1403 : i32
    %max3A_1411 = arith.maximumf %max3A_1404, %get3A_1407 : f32
    %get3A_1412 = arith.constant 74 : i32
    %get3A_1413 = arith.index_cast %get3A_1412 : i32 to index
    %get3A_1414 = memref.load %arg5[%get3A_1413] : memref<128xf32, #tpu.memory_space<smem>>
    %gt3A_1415 = arith.cmpf ogt, %get3A_1414, %max3A_1411 : f32
    %jit3A_1416 = arith.constant 202 : i32
    %select_n3A_1417 = arith.select %gt3A_1415, %jit3A_1416, %select_n3A_1410 : i32
    %max3A_1418 = arith.maximumf %max3A_1411, %get3A_1414 : f32
    %get3A_1419 = arith.constant 75 : i32
    %get3A_1420 = arith.index_cast %get3A_1419 : i32 to index
    %get3A_1421 = memref.load %arg5[%get3A_1420] : memref<128xf32, #tpu.memory_space<smem>>
    %gt3A_1422 = arith.cmpf ogt, %get3A_1421, %max3A_1418 : f32
    %jit3A_1423 = arith.constant 203 : i32
    %select_n3A_1424 = arith.select %gt3A_1422, %jit3A_1423, %select_n3A_1417 : i32
    %max3A_1425 = arith.maximumf %max3A_1418, %get3A_1421 : f32
    %get3A_1426 = arith.constant 76 : i32
    %get3A_1427 = arith.index_cast %get3A_1426 : i32 to index
    %get3A_1428 = memref.load %arg5[%get3A_1427] : memref<128xf32, #tpu.memory_space<smem>>
    %gt3A_1429 = arith.cmpf ogt, %get3A_1428, %max3A_1425 : f32
    %jit3A_1430 = arith.constant 204 : i32
    %select_n3A_1431 = arith.select %gt3A_1429, %jit3A_1430, %select_n3A_1424 : i32
    %max3A_1432 = arith.maximumf %max3A_1425, %get3A_1428 : f32
    %get3A_1433 = arith.constant 77 : i32
    %get3A_1434 = arith.index_cast %get3A_1433 : i32 to index
    %get3A_1435 = memref.load %arg5[%get3A_1434] : memref<128xf32, #tpu.memory_space<smem>>
    %gt3A_1436 = arith.cmpf ogt, %get3A_1435, %max3A_1432 : f32
    %jit3A_1437 = arith.constant 205 : i32
    %select_n3A_1438 = arith.select %gt3A_1436, %jit3A_1437, %select_n3A_1431 : i32
    %max3A_1439 = arith.maximumf %max3A_1432, %get3A_1435 : f32
    %get3A_1440 = arith.constant 78 : i32
    %get3A_1441 = arith.index_cast %get3A_1440 : i32 to index
    %get3A_1442 = memref.load %arg5[%get3A_1441] : memref<128xf32, #tpu.memory_space<smem>>
    %gt3A_1443 = arith.cmpf ogt, %get3A_1442, %max3A_1439 : f32
    %jit3A_1444 = arith.constant 206 : i32
    %select_n3A_1445 = arith.select %gt3A_1443, %jit3A_1444, %select_n3A_1438 : i32
    %max3A_1446 = arith.maximumf %max3A_1439, %get3A_1442 : f32
    %get3A_1447 = arith.constant 79 : i32
    %get3A_1448 = arith.index_cast %get3A_1447 : i32 to index
    %get3A_1449 = memref.load %arg5[%get3A_1448] : memref<128xf32, #tpu.memory_space<smem>>
    %gt3A_1450 = arith.cmpf ogt, %get3A_1449, %max3A_1446 : f32
    %jit3A_1451 = arith.constant 207 : i32
    %select_n3A_1452 = arith.select %gt3A_1450, %jit3A_1451, %select_n3A_1445 : i32
    %max3A_1453 = arith.maximumf %max3A_1446, %get3A_1449 : f32
    %get3A_1454 = arith.constant 80 : i32
    %get3A_1455 = arith.index_cast %get3A_1454 : i32 to index
    %get3A_1456 = memref.load %arg5[%get3A_1455] : memref<128xf32, #tpu.memory_space<smem>>
    %gt3A_1457 = arith.cmpf ogt, %get3A_1456, %max3A_1453 : f32
    %jit3A_1458 = arith.constant 208 : i32
    %select_n3A_1459 = arith.select %gt3A_1457, %jit3A_1458, %select_n3A_1452 : i32
    %max3A_1460 = arith.maximumf %max3A_1453, %get3A_1456 : f32
    %get3A_1461 = arith.constant 81 : i32
    %get3A_1462 = arith.index_cast %get3A_1461 : i32 to index
    %get3A_1463 = memref.load %arg5[%get3A_1462] : memref<128xf32, #tpu.memory_space<smem>>
    %gt3A_1464 = arith.cmpf ogt, %get3A_1463, %max3A_1460 : f32
    %jit3A_1465 = arith.constant 209 : i32
    %select_n3A_1466 = arith.select %gt3A_1464, %jit3A_1465, %select_n3A_1459 : i32
    %max3A_1467 = arith.maximumf %max3A_1460, %get3A_1463 : f32
    %get3A_1468 = arith.constant 82 : i32
    %get3A_1469 = arith.index_cast %get3A_1468 : i32 to index
    %get3A_1470 = memref.load %arg5[%get3A_1469] : memref<128xf32, #tpu.memory_space<smem>>
    %gt3A_1471 = arith.cmpf ogt, %get3A_1470, %max3A_1467 : f32
    %jit3A_1472 = arith.constant 210 : i32
    %select_n3A_1473 = arith.select %gt3A_1471, %jit3A_1472, %select_n3A_1466 : i32
    %max3A_1474 = arith.maximumf %max3A_1467, %get3A_1470 : f32
    %get3A_1475 = arith.constant 83 : i32
    %get3A_1476 = arith.index_cast %get3A_1475 : i32 to index
    %get3A_1477 = memref.load %arg5[%get3A_1476] : memref<128xf32, #tpu.memory_space<smem>>
    %gt3A_1478 = arith.cmpf ogt, %get3A_1477, %max3A_1474 : f32
    %jit3A_1479 = arith.constant 211 : i32
    %select_n3A_1480 = arith.select %gt3A_1478, %jit3A_1479, %select_n3A_1473 : i32
    %max3A_1481 = arith.maximumf %max3A_1474, %get3A_1477 : f32
    %get3A_1482 = arith.constant 84 : i32
    %get3A_1483 = arith.index_cast %get3A_1482 : i32 to index
    %get3A_1484 = memref.load %arg5[%get3A_1483] : memref<128xf32, #tpu.memory_space<smem>>
    %gt3A_1485 = arith.cmpf ogt, %get3A_1484, %max3A_1481 : f32
    %jit3A_1486 = arith.constant 212 : i32
    %select_n3A_1487 = arith.select %gt3A_1485, %jit3A_1486, %select_n3A_1480 : i32
    %max3A_1488 = arith.maximumf %max3A_1481, %get3A_1484 : f32
    %get3A_1489 = arith.constant 85 : i32
    %get3A_1490 = arith.index_cast %get3A_1489 : i32 to index
    %get3A_1491 = memref.load %arg5[%get3A_1490] : memref<128xf32, #tpu.memory_space<smem>>
    %gt3A_1492 = arith.cmpf ogt, %get3A_1491, %max3A_1488 : f32
    %jit3A_1493 = arith.constant 213 : i32
    %select_n3A_1494 = arith.select %gt3A_1492, %jit3A_1493, %select_n3A_1487 : i32
    %max3A_1495 = arith.maximumf %max3A_1488, %get3A_1491 : f32
    %get3A_1496 = arith.constant 86 : i32
    %get3A_1497 = arith.index_cast %get3A_1496 : i32 to index
    %get3A_1498 = memref.load %arg5[%get3A_1497] : memref<128xf32, #tpu.memory_space<smem>>
    %gt3A_1499 = arith.cmpf ogt, %get3A_1498, %max3A_1495 : f32
    %jit3A_1500 = arith.constant 214 : i32
    %select_n3A_1501 = arith.select %gt3A_1499, %jit3A_1500, %select_n3A_1494 : i32
    %max3A_1502 = arith.maximumf %max3A_1495, %get3A_1498 : f32
    %get3A_1503 = arith.constant 87 : i32
    %get3A_1504 = arith.index_cast %get3A_1503 : i32 to index
    %get3A_1505 = memref.load %arg5[%get3A_1504] : memref<128xf32, #tpu.memory_space<smem>>
    %gt3A_1506 = arith.cmpf ogt, %get3A_1505, %max3A_1502 : f32
    %jit3A_1507 = arith.constant 215 : i32
    %select_n3A_1508 = arith.select %gt3A_1506, %jit3A_1507, %select_n3A_1501 : i32
    %max3A_1509 = arith.maximumf %max3A_1502, %get3A_1505 : f32
    %get3A_1510 = arith.constant 88 : i32
    %get3A_1511 = arith.index_cast %get3A_1510 : i32 to index
    %get3A_1512 = memref.load %arg5[%get3A_1511] : memref<128xf32, #tpu.memory_space<smem>>
    %gt3A_1513 = arith.cmpf ogt, %get3A_1512, %max3A_1509 : f32
    %jit3A_1514 = arith.constant 216 : i32
    %select_n3A_1515 = arith.select %gt3A_1513, %jit3A_1514, %select_n3A_1508 : i32
    %max3A_1516 = arith.maximumf %max3A_1509, %get3A_1512 : f32
    %get3A_1517 = arith.constant 89 : i32
    %get3A_1518 = arith.index_cast %get3A_1517 : i32 to index
    %get3A_1519 = memref.load %arg5[%get3A_1518] : memref<128xf32, #tpu.memory_space<smem>>
    %gt3A_1520 = arith.cmpf ogt, %get3A_1519, %max3A_1516 : f32
    %jit3A_1521 = arith.constant 217 : i32
    %select_n3A_1522 = arith.select %gt3A_1520, %jit3A_1521, %select_n3A_1515 : i32
    %max3A_1523 = arith.maximumf %max3A_1516, %get3A_1519 : f32
    %get3A_1524 = arith.constant 90 : i32
    %get3A_1525 = arith.index_cast %get3A_1524 : i32 to index
    %get3A_1526 = memref.load %arg5[%get3A_1525] : memref<128xf32, #tpu.memory_space<smem>>
    %gt3A_1527 = arith.cmpf ogt, %get3A_1526, %max3A_1523 : f32
    %jit3A_1528 = arith.constant 218 : i32
    %select_n3A_1529 = arith.select %gt3A_1527, %jit3A_1528, %select_n3A_1522 : i32
    %max3A_1530 = arith.maximumf %max3A_1523, %get3A_1526 : f32
    %get3A_1531 = arith.constant 91 : i32
    %get3A_1532 = arith.index_cast %get3A_1531 : i32 to index
    %get3A_1533 = memref.load %arg5[%get3A_1532] : memref<128xf32, #tpu.memory_space<smem>>
    %gt3A_1534 = arith.cmpf ogt, %get3A_1533, %max3A_1530 : f32
    %jit3A_1535 = arith.constant 219 : i32
    %select_n3A_1536 = arith.select %gt3A_1534, %jit3A_1535, %select_n3A_1529 : i32
    %max3A_1537 = arith.maximumf %max3A_1530, %get3A_1533 : f32
    %get3A_1538 = arith.constant 92 : i32
    %get3A_1539 = arith.index_cast %get3A_1538 : i32 to index
    %get3A_1540 = memref.load %arg5[%get3A_1539] : memref<128xf32, #tpu.memory_space<smem>>
    %gt3A_1541 = arith.cmpf ogt, %get3A_1540, %max3A_1537 : f32
    %jit3A_1542 = arith.constant 220 : i32
    %select_n3A_1543 = arith.select %gt3A_1541, %jit3A_1542, %select_n3A_1536 : i32
    %max3A_1544 = arith.maximumf %max3A_1537, %get3A_1540 : f32
    %get3A_1545 = arith.constant 93 : i32
    %get3A_1546 = arith.index_cast %get3A_1545 : i32 to index
    %get3A_1547 = memref.load %arg5[%get3A_1546] : memref<128xf32, #tpu.memory_space<smem>>
    %gt3A_1548 = arith.cmpf ogt, %get3A_1547, %max3A_1544 : f32
    %jit3A_1549 = arith.constant 221 : i32
    %select_n3A_1550 = arith.select %gt3A_1548, %jit3A_1549, %select_n3A_1543 : i32
    %max3A_1551 = arith.maximumf %max3A_1544, %get3A_1547 : f32
    %get3A_1552 = arith.constant 94 : i32
    %get3A_1553 = arith.index_cast %get3A_1552 : i32 to index
    %get3A_1554 = memref.load %arg5[%get3A_1553] : memref<128xf32, #tpu.memory_space<smem>>
    %gt3A_1555 = arith.cmpf ogt, %get3A_1554, %max3A_1551 : f32
    %jit3A_1556 = arith.constant 222 : i32
    %select_n3A_1557 = arith.select %gt3A_1555, %jit3A_1556, %select_n3A_1550 : i32
    %max3A_1558 = arith.maximumf %max3A_1551, %get3A_1554 : f32
    %get3A_1559 = arith.constant 95 : i32
    %get3A_1560 = arith.index_cast %get3A_1559 : i32 to index
    %get3A_1561 = memref.load %arg5[%get3A_1560] : memref<128xf32, #tpu.memory_space<smem>>
    %gt3A_1562 = arith.cmpf ogt, %get3A_1561, %max3A_1558 : f32
    %jit3A_1563 = arith.constant 223 : i32
    %select_n3A_1564 = arith.select %gt3A_1562, %jit3A_1563, %select_n3A_1557 : i32
    %max3A_1565 = arith.maximumf %max3A_1558, %get3A_1561 : f32
    %get3A_1566 = arith.constant 96 : i32
    %get3A_1567 = arith.index_cast %get3A_1566 : i32 to index
    %get3A_1568 = memref.load %arg5[%get3A_1567] : memref<128xf32, #tpu.memory_space<smem>>
    %gt3A_1569 = arith.cmpf ogt, %get3A_1568, %max3A_1565 : f32
    %jit3A_1570 = arith.constant 224 : i32
    %select_n3A_1571 = arith.select %gt3A_1569, %jit3A_1570, %select_n3A_1564 : i32
    %max3A_1572 = arith.maximumf %max3A_1565, %get3A_1568 : f32
    %get3A_1573 = arith.constant 97 : i32
    %get3A_1574 = arith.index_cast %get3A_1573 : i32 to index
    %get3A_1575 = memref.load %arg5[%get3A_1574] : memref<128xf32, #tpu.memory_space<smem>>
    %gt3A_1576 = arith.cmpf ogt, %get3A_1575, %max3A_1572 : f32
    %jit3A_1577 = arith.constant 225 : i32
    %select_n3A_1578 = arith.select %gt3A_1576, %jit3A_1577, %select_n3A_1571 : i32
    %max3A_1579 = arith.maximumf %max3A_1572, %get3A_1575 : f32
    %get3A_1580 = arith.constant 98 : i32
    %get3A_1581 = arith.index_cast %get3A_1580 : i32 to index
    %get3A_1582 = memref.load %arg5[%get3A_1581] : memref<128xf32, #tpu.memory_space<smem>>
    %gt3A_1583 = arith.cmpf ogt, %get3A_1582, %max3A_1579 : f32
    %jit3A_1584 = arith.constant 226 : i32
    %select_n3A_1585 = arith.select %gt3A_1583, %jit3A_1584, %select_n3A_1578 : i32
    %max3A_1586 = arith.maximumf %max3A_1579, %get3A_1582 : f32
    %get3A_1587 = arith.constant 99 : i32
    %get3A_1588 = arith.index_cast %get3A_1587 : i32 to index
    %get3A_1589 = memref.load %arg5[%get3A_1588] : memref<128xf32, #tpu.memory_space<smem>>
    %gt3A_1590 = arith.cmpf ogt, %get3A_1589, %max3A_1586 : f32
    %jit3A_1591 = arith.constant 227 : i32
    %select_n3A_1592 = arith.select %gt3A_1590, %jit3A_1591, %select_n3A_1585 : i32
    %max3A_1593 = arith.maximumf %max3A_1586, %get3A_1589 : f32
    %get3A_1594 = arith.constant 100 : i32
    %get3A_1595 = arith.index_cast %get3A_1594 : i32 to index
    %get3A_1596 = memref.load %arg5[%get3A_1595] : memref<128xf32, #tpu.memory_space<smem>>
    %gt3A_1597 = arith.cmpf ogt, %get3A_1596, %max3A_1593 : f32
    %jit3A_1598 = arith.constant 228 : i32
    %select_n3A_1599 = arith.select %gt3A_1597, %jit3A_1598, %select_n3A_1592 : i32
    %max3A_1600 = arith.maximumf %max3A_1593, %get3A_1596 : f32
    %get3A_1601 = arith.constant 101 : i32
    %get3A_1602 = arith.index_cast %get3A_1601 : i32 to index
    %get3A_1603 = memref.load %arg5[%get3A_1602] : memref<128xf32, #tpu.memory_space<smem>>
    %gt3A_1604 = arith.cmpf ogt, %get3A_1603, %max3A_1600 : f32
    %jit3A_1605 = arith.constant 229 : i32
    %select_n3A_1606 = arith.select %gt3A_1604, %jit3A_1605, %select_n3A_1599 : i32
    %max3A_1607 = arith.maximumf %max3A_1600, %get3A_1603 : f32
    %get3A_1608 = arith.constant 102 : i32
    %get3A_1609 = arith.index_cast %get3A_1608 : i32 to index
    %get3A_1610 = memref.load %arg5[%get3A_1609] : memref<128xf32, #tpu.memory_space<smem>>
    %gt3A_1611 = arith.cmpf ogt, %get3A_1610, %max3A_1607 : f32
    %jit3A_1612 = arith.constant 230 : i32
    %select_n3A_1613 = arith.select %gt3A_1611, %jit3A_1612, %select_n3A_1606 : i32
    %max3A_1614 = arith.maximumf %max3A_1607, %get3A_1610 : f32
    %get3A_1615 = arith.constant 103 : i32
    %get3A_1616 = arith.index_cast %get3A_1615 : i32 to index
    %get3A_1617 = memref.load %arg5[%get3A_1616] : memref<128xf32, #tpu.memory_space<smem>>
    %gt3A_1618 = arith.cmpf ogt, %get3A_1617, %max3A_1614 : f32
    %jit3A_1619 = arith.constant 231 : i32
    %select_n3A_1620 = arith.select %gt3A_1618, %jit3A_1619, %select_n3A_1613 : i32
    %max3A_1621 = arith.maximumf %max3A_1614, %get3A_1617 : f32
    %get3A_1622 = arith.constant 104 : i32
    %get3A_1623 = arith.index_cast %get3A_1622 : i32 to index
    %get3A_1624 = memref.load %arg5[%get3A_1623] : memref<128xf32, #tpu.memory_space<smem>>
    %gt3A_1625 = arith.cmpf ogt, %get3A_1624, %max3A_1621 : f32
    %jit3A_1626 = arith.constant 232 : i32
    %select_n3A_1627 = arith.select %gt3A_1625, %jit3A_1626, %select_n3A_1620 : i32
    %max3A_1628 = arith.maximumf %max3A_1621, %get3A_1624 : f32
    %get3A_1629 = arith.constant 105 : i32
    %get3A_1630 = arith.index_cast %get3A_1629 : i32 to index
    %get3A_1631 = memref.load %arg5[%get3A_1630] : memref<128xf32, #tpu.memory_space<smem>>
    %gt3A_1632 = arith.cmpf ogt, %get3A_1631, %max3A_1628 : f32
    %jit3A_1633 = arith.constant 233 : i32
    %select_n3A_1634 = arith.select %gt3A_1632, %jit3A_1633, %select_n3A_1627 : i32
    %max3A_1635 = arith.maximumf %max3A_1628, %get3A_1631 : f32
    %get3A_1636 = arith.constant 106 : i32
    %get3A_1637 = arith.index_cast %get3A_1636 : i32 to index
    %get3A_1638 = memref.load %arg5[%get3A_1637] : memref<128xf32, #tpu.memory_space<smem>>
    %gt3A_1639 = arith.cmpf ogt, %get3A_1638, %max3A_1635 : f32
    %jit3A_1640 = arith.constant 234 : i32
    %select_n3A_1641 = arith.select %gt3A_1639, %jit3A_1640, %select_n3A_1634 : i32
    %max3A_1642 = arith.maximumf %max3A_1635, %get3A_1638 : f32
    %get3A_1643 = arith.constant 107 : i32
    %get3A_1644 = arith.index_cast %get3A_1643 : i32 to index
    %get3A_1645 = memref.load %arg5[%get3A_1644] : memref<128xf32, #tpu.memory_space<smem>>
    %gt3A_1646 = arith.cmpf ogt, %get3A_1645, %max3A_1642 : f32
    %jit3A_1647 = arith.constant 235 : i32
    %select_n3A_1648 = arith.select %gt3A_1646, %jit3A_1647, %select_n3A_1641 : i32
    %max3A_1649 = arith.maximumf %max3A_1642, %get3A_1645 : f32
    %get3A_1650 = arith.constant 108 : i32
    %get3A_1651 = arith.index_cast %get3A_1650 : i32 to index
    %get3A_1652 = memref.load %arg5[%get3A_1651] : memref<128xf32, #tpu.memory_space<smem>>
    %gt3A_1653 = arith.cmpf ogt, %get3A_1652, %max3A_1649 : f32
    %jit3A_1654 = arith.constant 236 : i32
    %select_n3A_1655 = arith.select %gt3A_1653, %jit3A_1654, %select_n3A_1648 : i32
    %max3A_1656 = arith.maximumf %max3A_1649, %get3A_1652 : f32
    %get3A_1657 = arith.constant 109 : i32
    %get3A_1658 = arith.index_cast %get3A_1657 : i32 to index
    %get3A_1659 = memref.load %arg5[%get3A_1658] : memref<128xf32, #tpu.memory_space<smem>>
    %gt3A_1660 = arith.cmpf ogt, %get3A_1659, %max3A_1656 : f32
    %jit3A_1661 = arith.constant 237 : i32
    %select_n3A_1662 = arith.select %gt3A_1660, %jit3A_1661, %select_n3A_1655 : i32
    %max3A_1663 = arith.maximumf %max3A_1656, %get3A_1659 : f32
    %get3A_1664 = arith.constant 110 : i32
    %get3A_1665 = arith.index_cast %get3A_1664 : i32 to index
    %get3A_1666 = memref.load %arg5[%get3A_1665] : memref<128xf32, #tpu.memory_space<smem>>
    %gt3A_1667 = arith.cmpf ogt, %get3A_1666, %max3A_1663 : f32
    %jit3A_1668 = arith.constant 238 : i32
    %select_n3A_1669 = arith.select %gt3A_1667, %jit3A_1668, %select_n3A_1662 : i32
    %max3A_1670 = arith.maximumf %max3A_1663, %get3A_1666 : f32
    %get3A_1671 = arith.constant 111 : i32
    %get3A_1672 = arith.index_cast %get3A_1671 : i32 to index
    %get3A_1673 = memref.load %arg5[%get3A_1672] : memref<128xf32, #tpu.memory_space<smem>>
    %gt3A_1674 = arith.cmpf ogt, %get3A_1673, %max3A_1670 : f32
    %jit3A_1675 = arith.constant 239 : i32
    %select_n3A_1676 = arith.select %gt3A_1674, %jit3A_1675, %select_n3A_1669 : i32
    %max3A_1677 = arith.maximumf %max3A_1670, %get3A_1673 : f32
    %get3A_1678 = arith.constant 112 : i32
    %get3A_1679 = arith.index_cast %get3A_1678 : i32 to index
    %get3A_1680 = memref.load %arg5[%get3A_1679] : memref<128xf32, #tpu.memory_space<smem>>
    %gt3A_1681 = arith.cmpf ogt, %get3A_1680, %max3A_1677 : f32
    %jit3A_1682 = arith.constant 240 : i32
    %select_n3A_1683 = arith.select %gt3A_1681, %jit3A_1682, %select_n3A_1676 : i32
    %max3A_1684 = arith.maximumf %max3A_1677, %get3A_1680 : f32
    %get3A_1685 = arith.constant 113 : i32
    %get3A_1686 = arith.index_cast %get3A_1685 : i32 to index
    %get3A_1687 = memref.load %arg5[%get3A_1686] : memref<128xf32, #tpu.memory_space<smem>>
    %gt3A_1688 = arith.cmpf ogt, %get3A_1687, %max3A_1684 : f32
    %jit3A_1689 = arith.constant 241 : i32
    %select_n3A_1690 = arith.select %gt3A_1688, %jit3A_1689, %select_n3A_1683 : i32
    %max3A_1691 = arith.maximumf %max3A_1684, %get3A_1687 : f32
    %get3A_1692 = arith.constant 114 : i32
    %get3A_1693 = arith.index_cast %get3A_1692 : i32 to index
    %get3A_1694 = memref.load %arg5[%get3A_1693] : memref<128xf32, #tpu.memory_space<smem>>
    %gt3A_1695 = arith.cmpf ogt, %get3A_1694, %max3A_1691 : f32
    %jit3A_1696 = arith.constant 242 : i32
    %select_n3A_1697 = arith.select %gt3A_1695, %jit3A_1696, %select_n3A_1690 : i32
    %max3A_1698 = arith.maximumf %max3A_1691, %get3A_1694 : f32
    %get3A_1699 = arith.constant 115 : i32
    %get3A_1700 = arith.index_cast %get3A_1699 : i32 to index
    %get3A_1701 = memref.load %arg5[%get3A_1700] : memref<128xf32, #tpu.memory_space<smem>>
    %gt3A_1702 = arith.cmpf ogt, %get3A_1701, %max3A_1698 : f32
    %jit3A_1703 = arith.constant 243 : i32
    %select_n3A_1704 = arith.select %gt3A_1702, %jit3A_1703, %select_n3A_1697 : i32
    %max3A_1705 = arith.maximumf %max3A_1698, %get3A_1701 : f32
    %get3A_1706 = arith.constant 116 : i32
    %get3A_1707 = arith.index_cast %get3A_1706 : i32 to index
    %get3A_1708 = memref.load %arg5[%get3A_1707] : memref<128xf32, #tpu.memory_space<smem>>
    %gt3A_1709 = arith.cmpf ogt, %get3A_1708, %max3A_1705 : f32
    %jit3A_1710 = arith.constant 244 : i32
    %select_n3A_1711 = arith.select %gt3A_1709, %jit3A_1710, %select_n3A_1704 : i32
    %max3A_1712 = arith.maximumf %max3A_1705, %get3A_1708 : f32
    %get3A_1713 = arith.constant 117 : i32
    %get3A_1714 = arith.index_cast %get3A_1713 : i32 to index
    %get3A_1715 = memref.load %arg5[%get3A_1714] : memref<128xf32, #tpu.memory_space<smem>>
    %gt3A_1716 = arith.cmpf ogt, %get3A_1715, %max3A_1712 : f32
    %jit3A_1717 = arith.constant 245 : i32
    %select_n3A_1718 = arith.select %gt3A_1716, %jit3A_1717, %select_n3A_1711 : i32
    %max3A_1719 = arith.maximumf %max3A_1712, %get3A_1715 : f32
    %get3A_1720 = arith.constant 118 : i32
    %get3A_1721 = arith.index_cast %get3A_1720 : i32 to index
    %get3A_1722 = memref.load %arg5[%get3A_1721] : memref<128xf32, #tpu.memory_space<smem>>
    %gt3A_1723 = arith.cmpf ogt, %get3A_1722, %max3A_1719 : f32
    %jit3A_1724 = arith.constant 246 : i32
    %select_n3A_1725 = arith.select %gt3A_1723, %jit3A_1724, %select_n3A_1718 : i32
    %max3A_1726 = arith.maximumf %max3A_1719, %get3A_1722 : f32
    %get3A_1727 = arith.constant 119 : i32
    %get3A_1728 = arith.index_cast %get3A_1727 : i32 to index
    %get3A_1729 = memref.load %arg5[%get3A_1728] : memref<128xf32, #tpu.memory_space<smem>>
    %gt3A_1730 = arith.cmpf ogt, %get3A_1729, %max3A_1726 : f32
    %jit3A_1731 = arith.constant 247 : i32
    %select_n3A_1732 = arith.select %gt3A_1730, %jit3A_1731, %select_n3A_1725 : i32
    %max3A_1733 = arith.maximumf %max3A_1726, %get3A_1729 : f32
    %get3A_1734 = arith.constant 120 : i32
    %get3A_1735 = arith.index_cast %get3A_1734 : i32 to index
    %get3A_1736 = memref.load %arg5[%get3A_1735] : memref<128xf32, #tpu.memory_space<smem>>
    %gt3A_1737 = arith.cmpf ogt, %get3A_1736, %max3A_1733 : f32
    %jit3A_1738 = arith.constant 248 : i32
    %select_n3A_1739 = arith.select %gt3A_1737, %jit3A_1738, %select_n3A_1732 : i32
    %max3A_1740 = arith.maximumf %max3A_1733, %get3A_1736 : f32
    %get3A_1741 = arith.constant 121 : i32
    %get3A_1742 = arith.index_cast %get3A_1741 : i32 to index
    %get3A_1743 = memref.load %arg5[%get3A_1742] : memref<128xf32, #tpu.memory_space<smem>>
    %gt3A_1744 = arith.cmpf ogt, %get3A_1743, %max3A_1740 : f32
    %jit3A_1745 = arith.constant 249 : i32
    %select_n3A_1746 = arith.select %gt3A_1744, %jit3A_1745, %select_n3A_1739 : i32
    %max3A_1747 = arith.maximumf %max3A_1740, %get3A_1743 : f32
    %get3A_1748 = arith.constant 122 : i32
    %get3A_1749 = arith.index_cast %get3A_1748 : i32 to index
    %get3A_1750 = memref.load %arg5[%get3A_1749] : memref<128xf32, #tpu.memory_space<smem>>
    %gt3A_1751 = arith.cmpf ogt, %get3A_1750, %max3A_1747 : f32
    %jit3A_1752 = arith.constant 250 : i32
    %select_n3A_1753 = arith.select %gt3A_1751, %jit3A_1752, %select_n3A_1746 : i32
    %max3A_1754 = arith.maximumf %max3A_1747, %get3A_1750 : f32
    %get3A_1755 = arith.constant 123 : i32
    %get3A_1756 = arith.index_cast %get3A_1755 : i32 to index
    %get3A_1757 = memref.load %arg5[%get3A_1756] : memref<128xf32, #tpu.memory_space<smem>>
    %gt3A_1758 = arith.cmpf ogt, %get3A_1757, %max3A_1754 : f32
    %jit3A_1759 = arith.constant 251 : i32
    %select_n3A_1760 = arith.select %gt3A_1758, %jit3A_1759, %select_n3A_1753 : i32
    %max3A_1761 = arith.maximumf %max3A_1754, %get3A_1757 : f32
    %get3A_1762 = arith.constant 124 : i32
    %get3A_1763 = arith.index_cast %get3A_1762 : i32 to index
    %get3A_1764 = memref.load %arg5[%get3A_1763] : memref<128xf32, #tpu.memory_space<smem>>
    %gt3A_1765 = arith.cmpf ogt, %get3A_1764, %max3A_1761 : f32
    %jit3A_1766 = arith.constant 252 : i32
    %select_n3A_1767 = arith.select %gt3A_1765, %jit3A_1766, %select_n3A_1760 : i32
    %max3A_1768 = arith.maximumf %max3A_1761, %get3A_1764 : f32
    %get3A_1769 = arith.constant 125 : i32
    %get3A_1770 = arith.index_cast %get3A_1769 : i32 to index
    %get3A_1771 = memref.load %arg5[%get3A_1770] : memref<128xf32, #tpu.memory_space<smem>>
    %gt3A_1772 = arith.cmpf ogt, %get3A_1771, %max3A_1768 : f32
    %jit3A_1773 = arith.constant 253 : i32
    %select_n3A_1774 = arith.select %gt3A_1772, %jit3A_1773, %select_n3A_1767 : i32
    %max3A_1775 = arith.maximumf %max3A_1768, %get3A_1771 : f32
    %get3A_1776 = arith.constant 126 : i32
    %get3A_1777 = arith.index_cast %get3A_1776 : i32 to index
    %get3A_1778 = memref.load %arg5[%get3A_1777] : memref<128xf32, #tpu.memory_space<smem>>
    %gt3A_1779 = arith.cmpf ogt, %get3A_1778, %max3A_1775 : f32
    %jit3A_1780 = arith.constant 254 : i32
    %select_n3A_1781 = arith.select %gt3A_1779, %jit3A_1780, %select_n3A_1774 : i32
    %max3A_1782 = arith.maximumf %max3A_1775, %get3A_1778 : f32
    %get3A_1783 = arith.constant 127 : i32
    %get3A_1784 = arith.index_cast %get3A_1783 : i32 to index
    %get3A_1785 = memref.load %arg5[%get3A_1784] : memref<128xf32, #tpu.memory_space<smem>>
    %gt3A_1786 = arith.cmpf ogt, %get3A_1785, %max3A_1782 : f32
    %jit3A_1787 = arith.constant 255 : i32
    %select_n3A_1788 = arith.select %gt3A_1786, %jit3A_1787, %select_n3A_1781 : i32
    %max3A_1789 = arith.maximumf %max3A_1782, %get3A_1785 : f32
    %mul3A = arith.constant 256 : i32
    %mul3A_1790 = arith.muli %arg0, %mul3A : i32
    %add3A = arith.constant 0 : i32
    %add3A_1791 = arith.addi %mul3A_1790, %add3A : i32
    %dma_start3A_1792 = arith.constant 0 : i32
    %dma_start3A_1793 = arith.constant 0 : i32
    %dma_start3A_1794 = tpu.memref_slice %arg6[%dma_start3A_1792, %dma_start3A_1793] : memref<256x256xf32, #tpu.memory_space<vmem_shared>> -> memref<64x256xf32, #tpu.memory_space<vmem_shared>>
    %dma_start3A_1795 = arith.constant 0 : i32
    %dma_start3A_1796 = tpu.memref_slice %arg1[%select_n3A_1788, %add3A_1791, %dma_start3A_1795] : memref<256x256x256xf32, #tpu.memory_space<hbm>> -> memref<1x64x256xf32, #tpu.memory_space<hbm>>
    %dma_start3A_1797 = tpu.memref_squeeze %dma_start3A_1796 : memref<1x64x256xf32, #tpu.memory_space<hbm>> -> memref<64x256xf32, #tpu.memory_space<hbm>>
    tpu.enqueue_dma source(%dma_start3A_1797 : memref<64x256xf32, #tpu.memory_space<hbm>>) target(%dma_start3A_1794 : memref<64x256xf32, #tpu.memory_space<vmem_shared>>) target_semaphore(%arg7 : memref<!tpu.dma_semaphore, #tpu.memory_space<semaphore_mem>>)
    %mul3A_1798 = arith.constant 256 : i32
    %mul3A_1799 = arith.muli %arg0, %mul3A_1798 : i32
    %add3A_1800 = arith.constant 64 : i32
    %add3A_1801 = arith.addi %mul3A_1799, %add3A_1800 : i32
    %dma_start3A_1802 = arith.constant 64 : i32
    %dma_start3A_1803 = arith.constant 0 : i32
    %dma_start3A_1804 = tpu.memref_slice %arg6[%dma_start3A_1802, %dma_start3A_1803] : memref<256x256xf32, #tpu.memory_space<vmem_shared>> -> memref<64x256xf32, #tpu.memory_space<vmem_shared>>
    %dma_start3A_1805 = arith.constant 0 : i32
    %dma_start3A_1806 = tpu.memref_slice %arg1[%select_n3A_1788, %add3A_1801, %dma_start3A_1805] : memref<256x256x256xf32, #tpu.memory_space<hbm>> -> memref<1x64x256xf32, #tpu.memory_space<hbm>>
    %dma_start3A_1807 = tpu.memref_squeeze %dma_start3A_1806 : memref<1x64x256xf32, #tpu.memory_space<hbm>> -> memref<64x256xf32, #tpu.memory_space<hbm>>
    tpu.enqueue_dma source(%dma_start3A_1807 : memref<64x256xf32, #tpu.memory_space<hbm>>) target(%dma_start3A_1804 : memref<64x256xf32, #tpu.memory_space<vmem_shared>>) target_semaphore(%arg7 : memref<!tpu.dma_semaphore, #tpu.memory_space<semaphore_mem>>)
    %mul3A_1808 = arith.constant 256 : i32
    %mul3A_1809 = arith.muli %arg0, %mul3A_1808 : i32
    %add3A_1810 = arith.constant 128 : i32
    %add3A_1811 = arith.addi %mul3A_1809, %add3A_1810 : i32
    %dma_start3A_1812 = arith.constant 128 : i32
    %dma_start3A_1813 = arith.constant 0 : i32
    %dma_start3A_1814 = tpu.memref_slice %arg6[%dma_start3A_1812, %dma_start3A_1813] : memref<256x256xf32, #tpu.memory_space<vmem_shared>> -> memref<64x256xf32, #tpu.memory_space<vmem_shared>>
    %dma_start3A_1815 = arith.constant 0 : i32
    %dma_start3A_1816 = tpu.memref_slice %arg1[%select_n3A_1788, %add3A_1811, %dma_start3A_1815] : memref<256x256x256xf32, #tpu.memory_space<hbm>> -> memref<1x64x256xf32, #tpu.memory_space<hbm>>
    %dma_start3A_1817 = tpu.memref_squeeze %dma_start3A_1816 : memref<1x64x256xf32, #tpu.memory_space<hbm>> -> memref<64x256xf32, #tpu.memory_space<hbm>>
    tpu.enqueue_dma source(%dma_start3A_1817 : memref<64x256xf32, #tpu.memory_space<hbm>>) target(%dma_start3A_1814 : memref<64x256xf32, #tpu.memory_space<vmem_shared>>) target_semaphore(%arg7 : memref<!tpu.dma_semaphore, #tpu.memory_space<semaphore_mem>>)
    %mul3A_1818 = arith.constant 256 : i32
    %mul3A_1819 = arith.muli %arg0, %mul3A_1818 : i32
    %add3A_1820 = arith.constant 192 : i32
    %add3A_1821 = arith.addi %mul3A_1819, %add3A_1820 : i32
    %dma_start3A_1822 = arith.constant 192 : i32
    %dma_start3A_1823 = arith.constant 0 : i32
    %dma_start3A_1824 = tpu.memref_slice %arg6[%dma_start3A_1822, %dma_start3A_1823] : memref<256x256xf32, #tpu.memory_space<vmem_shared>> -> memref<64x256xf32, #tpu.memory_space<vmem_shared>>
    %dma_start3A_1825 = arith.constant 0 : i32
    %dma_start3A_1826 = tpu.memref_slice %arg1[%select_n3A_1788, %add3A_1821, %dma_start3A_1825] : memref<256x256x256xf32, #tpu.memory_space<hbm>> -> memref<1x64x256xf32, #tpu.memory_space<hbm>>
    %dma_start3A_1827 = tpu.memref_squeeze %dma_start3A_1826 : memref<1x64x256xf32, #tpu.memory_space<hbm>> -> memref<64x256xf32, #tpu.memory_space<hbm>>
    tpu.enqueue_dma source(%dma_start3A_1827 : memref<64x256xf32, #tpu.memory_space<hbm>>) target(%dma_start3A_1824 : memref<64x256xf32, #tpu.memory_space<vmem_shared>>) target_semaphore(%arg7 : memref<!tpu.dma_semaphore, #tpu.memory_space<semaphore_mem>>)
    %dma_wait3A_1828 = arith.constant 0 : i32
    %dma_wait3A_1829 = arith.constant 0 : i32
    %dma_wait3A_1830 = tpu.memref_slice %arg6[%dma_wait3A_1828, %dma_wait3A_1829] : memref<256x256xf32, #tpu.memory_space<vmem_shared>> -> memref<64x256xf32, #tpu.memory_space<vmem_shared>>
    %dma_wait3A_1831 = arith.constant 0 : i32
    %dma_wait3A_1832 = tpu.memref_slice %arg1[%select_n3A_1788, %add3A_1791, %dma_wait3A_1831] : memref<256x256x256xf32, #tpu.memory_space<hbm>> -> memref<1x64x256xf32, #tpu.memory_space<hbm>>
    %dma_wait3A_1833 = tpu.memref_squeeze %dma_wait3A_1832 : memref<1x64x256xf32, #tpu.memory_space<hbm>> -> memref<64x256xf32, #tpu.memory_space<hbm>>
    tpu.wait_dma2 semaphore(%arg7 : memref<!tpu.dma_semaphore, #tpu.memory_space<semaphore_mem>>) src(%dma_wait3A_1833 : memref<64x256xf32, #tpu.memory_space<hbm>>) dst(%dma_wait3A_1830 : memref<64x256xf32, #tpu.memory_space<vmem_shared>>)
    %mul3A_1834 = arith.constant 256 : i32
    %mul3A_1835 = arith.muli %arg0, %mul3A_1834 : i32
    %add3A_1836 = arith.constant 0 : i32
    %add3A_1837 = arith.addi %mul3A_1835, %add3A_1836 : i32
    %dma_start3A_1838 = arith.constant 0 : i32
    %dma_start3A_1839 = tpu.memref_slice %arg3[%add3A_1837, %dma_start3A_1838] : memref<256x256xf32, #tpu.memory_space<hbm>> -> memref<64x256xf32, #tpu.memory_space<hbm>>
    %dma_start3A_1840 = arith.constant 0 : i32
    %dma_start3A_1841 = arith.constant 0 : i32
    %dma_start3A_1842 = tpu.memref_slice %arg6[%dma_start3A_1840, %dma_start3A_1841] : memref<256x256xf32, #tpu.memory_space<vmem_shared>> -> memref<64x256xf32, #tpu.memory_space<vmem_shared>>
    tpu.enqueue_dma source(%dma_start3A_1842 : memref<64x256xf32, #tpu.memory_space<vmem_shared>>) target(%dma_start3A_1839 : memref<64x256xf32, #tpu.memory_space<hbm>>) target_semaphore(%arg8 : memref<!tpu.dma_semaphore, #tpu.memory_space<semaphore_mem>>)
    %dma_wait3A_1843 = arith.constant 64 : i32
    %dma_wait3A_1844 = arith.constant 0 : i32
    %dma_wait3A_1845 = tpu.memref_slice %arg6[%dma_wait3A_1843, %dma_wait3A_1844] : memref<256x256xf32, #tpu.memory_space<vmem_shared>> -> memref<64x256xf32, #tpu.memory_space<vmem_shared>>
    %dma_wait3A_1846 = arith.constant 0 : i32
    %dma_wait3A_1847 = tpu.memref_slice %arg1[%select_n3A_1788, %add3A_1801, %dma_wait3A_1846] : memref<256x256x256xf32, #tpu.memory_space<hbm>> -> memref<1x64x256xf32, #tpu.memory_space<hbm>>
    %dma_wait3A_1848 = tpu.memref_squeeze %dma_wait3A_1847 : memref<1x64x256xf32, #tpu.memory_space<hbm>> -> memref<64x256xf32, #tpu.memory_space<hbm>>
    tpu.wait_dma2 semaphore(%arg7 : memref<!tpu.dma_semaphore, #tpu.memory_space<semaphore_mem>>) src(%dma_wait3A_1848 : memref<64x256xf32, #tpu.memory_space<hbm>>) dst(%dma_wait3A_1845 : memref<64x256xf32, #tpu.memory_space<vmem_shared>>)
    %mul3A_1849 = arith.constant 256 : i32
    %mul3A_1850 = arith.muli %arg0, %mul3A_1849 : i32
    %add3A_1851 = arith.constant 64 : i32
    %add3A_1852 = arith.addi %mul3A_1850, %add3A_1851 : i32
    %dma_start3A_1853 = arith.constant 0 : i32
    %dma_start3A_1854 = tpu.memref_slice %arg3[%add3A_1852, %dma_start3A_1853] : memref<256x256xf32, #tpu.memory_space<hbm>> -> memref<64x256xf32, #tpu.memory_space<hbm>>
    %dma_start3A_1855 = arith.constant 64 : i32
    %dma_start3A_1856 = arith.constant 0 : i32
    %dma_start3A_1857 = tpu.memref_slice %arg6[%dma_start3A_1855, %dma_start3A_1856] : memref<256x256xf32, #tpu.memory_space<vmem_shared>> -> memref<64x256xf32, #tpu.memory_space<vmem_shared>>
    tpu.enqueue_dma source(%dma_start3A_1857 : memref<64x256xf32, #tpu.memory_space<vmem_shared>>) target(%dma_start3A_1854 : memref<64x256xf32, #tpu.memory_space<hbm>>) target_semaphore(%arg8 : memref<!tpu.dma_semaphore, #tpu.memory_space<semaphore_mem>>)
    %dma_wait3A_1858 = arith.constant 128 : i32
    %dma_wait3A_1859 = arith.constant 0 : i32
    %dma_wait3A_1860 = tpu.memref_slice %arg6[%dma_wait3A_1858, %dma_wait3A_1859] : memref<256x256xf32, #tpu.memory_space<vmem_shared>> -> memref<64x256xf32, #tpu.memory_space<vmem_shared>>
    %dma_wait3A_1861 = arith.constant 0 : i32
    %dma_wait3A_1862 = tpu.memref_slice %arg1[%select_n3A_1788, %add3A_1811, %dma_wait3A_1861] : memref<256x256x256xf32, #tpu.memory_space<hbm>> -> memref<1x64x256xf32, #tpu.memory_space<hbm>>
    %dma_wait3A_1863 = tpu.memref_squeeze %dma_wait3A_1862 : memref<1x64x256xf32, #tpu.memory_space<hbm>> -> memref<64x256xf32, #tpu.memory_space<hbm>>
    tpu.wait_dma2 semaphore(%arg7 : memref<!tpu.dma_semaphore, #tpu.memory_space<semaphore_mem>>) src(%dma_wait3A_1863 : memref<64x256xf32, #tpu.memory_space<hbm>>) dst(%dma_wait3A_1860 : memref<64x256xf32, #tpu.memory_space<vmem_shared>>)
    %mul3A_1864 = arith.constant 256 : i32
    %mul3A_1865 = arith.muli %arg0, %mul3A_1864 : i32
    %add3A_1866 = arith.constant 128 : i32
    %add3A_1867 = arith.addi %mul3A_1865, %add3A_1866 : i32
    %dma_start3A_1868 = arith.constant 0 : i32
    %dma_start3A_1869 = tpu.memref_slice %arg3[%add3A_1867, %dma_start3A_1868] : memref<256x256xf32, #tpu.memory_space<hbm>> -> memref<64x256xf32, #tpu.memory_space<hbm>>
    %dma_start3A_1870 = arith.constant 128 : i32
    %dma_start3A_1871 = arith.constant 0 : i32
    %dma_start3A_1872 = tpu.memref_slice %arg6[%dma_start3A_1870, %dma_start3A_1871] : memref<256x256xf32, #tpu.memory_space<vmem_shared>> -> memref<64x256xf32, #tpu.memory_space<vmem_shared>>
    tpu.enqueue_dma source(%dma_start3A_1872 : memref<64x256xf32, #tpu.memory_space<vmem_shared>>) target(%dma_start3A_1869 : memref<64x256xf32, #tpu.memory_space<hbm>>) target_semaphore(%arg8 : memref<!tpu.dma_semaphore, #tpu.memory_space<semaphore_mem>>)
    %dma_wait3A_1873 = arith.constant 192 : i32
    %dma_wait3A_1874 = arith.constant 0 : i32
    %dma_wait3A_1875 = tpu.memref_slice %arg6[%dma_wait3A_1873, %dma_wait3A_1874] : memref<256x256xf32, #tpu.memory_space<vmem_shared>> -> memref<64x256xf32, #tpu.memory_space<vmem_shared>>
    %dma_wait3A_1876 = arith.constant 0 : i32
    %dma_wait3A_1877 = tpu.memref_slice %arg1[%select_n3A_1788, %add3A_1821, %dma_wait3A_1876] : memref<256x256x256xf32, #tpu.memory_space<hbm>> -> memref<1x64x256xf32, #tpu.memory_space<hbm>>
    %dma_wait3A_1878 = tpu.memref_squeeze %dma_wait3A_1877 : memref<1x64x256xf32, #tpu.memory_space<hbm>> -> memref<64x256xf32, #tpu.memory_space<hbm>>
    tpu.wait_dma2 semaphore(%arg7 : memref<!tpu.dma_semaphore, #tpu.memory_space<semaphore_mem>>) src(%dma_wait3A_1878 : memref<64x256xf32, #tpu.memory_space<hbm>>) dst(%dma_wait3A_1875 : memref<64x256xf32, #tpu.memory_space<vmem_shared>>)
    %mul3A_1879 = arith.constant 256 : i32
    %mul3A_1880 = arith.muli %arg0, %mul3A_1879 : i32
    %add3A_1881 = arith.constant 192 : i32
    %add3A_1882 = arith.addi %mul3A_1880, %add3A_1881 : i32
    %dma_start3A_1883 = arith.constant 0 : i32
    %dma_start3A_1884 = tpu.memref_slice %arg3[%add3A_1882, %dma_start3A_1883] : memref<256x256xf32, #tpu.memory_space<hbm>> -> memref<64x256xf32, #tpu.memory_space<hbm>>
    %dma_start3A_1885 = arith.constant 192 : i32
    %dma_start3A_1886 = arith.constant 0 : i32
    %dma_start3A_1887 = tpu.memref_slice %arg6[%dma_start3A_1885, %dma_start3A_1886] : memref<256x256xf32, #tpu.memory_space<vmem_shared>> -> memref<64x256xf32, #tpu.memory_space<vmem_shared>>
    tpu.enqueue_dma source(%dma_start3A_1887 : memref<64x256xf32, #tpu.memory_space<vmem_shared>>) target(%dma_start3A_1884 : memref<64x256xf32, #tpu.memory_space<hbm>>) target_semaphore(%arg8 : memref<!tpu.dma_semaphore, #tpu.memory_space<semaphore_mem>>)
    %dma_wait3A_1888 = arith.constant 0 : i32
    %dma_wait3A_1889 = tpu.memref_slice %arg3[%add3A_1837, %dma_wait3A_1888] : memref<256x256xf32, #tpu.memory_space<hbm>> -> memref<64x256xf32, #tpu.memory_space<hbm>>
    %dma_wait3A_1890 = arith.constant 0 : i32
    %dma_wait3A_1891 = arith.constant 0 : i32
    %dma_wait3A_1892 = tpu.memref_slice %arg6[%dma_wait3A_1890, %dma_wait3A_1891] : memref<256x256xf32, #tpu.memory_space<vmem_shared>> -> memref<64x256xf32, #tpu.memory_space<vmem_shared>>
    tpu.wait_dma2 semaphore(%arg8 : memref<!tpu.dma_semaphore, #tpu.memory_space<semaphore_mem>>) src(%dma_wait3A_1892 : memref<64x256xf32, #tpu.memory_space<vmem_shared>>) dst(%dma_wait3A_1889 : memref<64x256xf32, #tpu.memory_space<hbm>>)
    %dma_wait3A_1893 = arith.constant 0 : i32
    %dma_wait3A_1894 = tpu.memref_slice %arg3[%add3A_1852, %dma_wait3A_1893] : memref<256x256xf32, #tpu.memory_space<hbm>> -> memref<64x256xf32, #tpu.memory_space<hbm>>
    %dma_wait3A_1895 = arith.constant 64 : i32
    %dma_wait3A_1896 = arith.constant 0 : i32
    %dma_wait3A_1897 = tpu.memref_slice %arg6[%dma_wait3A_1895, %dma_wait3A_1896] : memref<256x256xf32, #tpu.memory_space<vmem_shared>> -> memref<64x256xf32, #tpu.memory_space<vmem_shared>>
    tpu.wait_dma2 semaphore(%arg8 : memref<!tpu.dma_semaphore, #tpu.memory_space<semaphore_mem>>) src(%dma_wait3A_1897 : memref<64x256xf32, #tpu.memory_space<vmem_shared>>) dst(%dma_wait3A_1894 : memref<64x256xf32, #tpu.memory_space<hbm>>)
    %dma_wait3A_1898 = arith.constant 0 : i32
    %dma_wait3A_1899 = tpu.memref_slice %arg3[%add3A_1867, %dma_wait3A_1898] : memref<256x256xf32, #tpu.memory_space<hbm>> -> memref<64x256xf32, #tpu.memory_space<hbm>>
    %dma_wait3A_1900 = arith.constant 128 : i32
    %dma_wait3A_1901 = arith.constant 0 : i32
    %dma_wait3A_1902 = tpu.memref_slice %arg6[%dma_wait3A_1900, %dma_wait3A_1901] : memref<256x256xf32, #tpu.memory_space<vmem_shared>> -> memref<64x256xf32, #tpu.memory_space<vmem_shared>>
    tpu.wait_dma2 semaphore(%arg8 : memref<!tpu.dma_semaphore, #tpu.memory_space<semaphore_mem>>) src(%dma_wait3A_1902 : memref<64x256xf32, #tpu.memory_space<vmem_shared>>) dst(%dma_wait3A_1899 : memref<64x256xf32, #tpu.memory_space<hbm>>)
    %dma_wait3A_1903 = arith.constant 0 : i32
    %dma_wait3A_1904 = tpu.memref_slice %arg3[%add3A_1882, %dma_wait3A_1903] : memref<256x256xf32, #tpu.memory_space<hbm>> -> memref<64x256xf32, #tpu.memory_space<hbm>>
    %dma_wait3A_1905 = arith.constant 192 : i32
    %dma_wait3A_1906 = arith.constant 0 : i32
    %dma_wait3A_1907 = tpu.memref_slice %arg6[%dma_wait3A_1905, %dma_wait3A_1906] : memref<256x256xf32, #tpu.memory_space<vmem_shared>> -> memref<64x256xf32, #tpu.memory_space<vmem_shared>>
    tpu.wait_dma2 semaphore(%arg8 : memref<!tpu.dma_semaphore, #tpu.memory_space<semaphore_mem>>) src(%dma_wait3A_1907 : memref<64x256xf32, #tpu.memory_space<vmem_shared>>) dst(%dma_wait3A_1904 : memref<64x256xf32, #tpu.memory_space<hbm>>)
    return
  }
}

</mosaic_0001>

<sc_bundles>
// kernel: kernel.3.cloned.1.call-start
scs
__scs_entry_jumppad:
0x0: {  	(pc) =	sbr.rel $0x88, $3  }
0x1: {  	(tag) =	ssettag $0x0;
	lr =	simm.s32 $0x1  }
0x2: {  	[smem:$0x3FA0] =	sst lr;
	_ =	strace $0xD0000000  }
0x3: {  	_ = 	snop  }
0x4: {  	_ = 	snop  }
0x5: {  	_ = 	snop  }
0x6: {  	_ = 	snop  }
0x7: {  	_ = 	snop  }
__scs_overlays_trampoline_lowered:
0x8: {  	[smem:$0x3FAF] =	sst s0  }
0x9: {  	[smem:$0x3FB0] =	sst s1  }
0xa: {  	[smem:$0x3FB1] =	sst s2  }
0xb: {  	[smem:$0x3FB2] =	sst s3  }
0xc: {  	[smem:$0x3FB3] =	sst s4  }
0xd: {  	[smem:$0x3FB4] =	sst s5  }
0xe: {  	[smem:$0x3FB5] =	sst s6  }
0xf: {  	[smem:$0x3FB6] =	sst s7  }
0x10: {  	[smem:$0x3FB7] =	sst s8  }
0x11: {  	[smem:$0x3FB8] =	sst s9;
	s0 =	simm.s32 @!p0 $0x0  }
0x12: {  	s1 =	sld [smem:$0x3F9E];
	s0 =	simm.s32 @p0 $0x1  }
0x13: {  	[smem:$0x3FB9] =	sst s0;
	s0 =	simm.s32 @!p1 $0x0  }
0x14: {  	s2 =	sld [smem:$0x3F9D];
	s0 =	simm.s32 @p1 $0x1  }
0x15: {  	[smem:$0x3FBA] =	sst s0;
	s0 =	simm.s32 @!p2 $0x0  }
0x16: {  	s3 =	sld [smem:$0x3FDB];
	s0 =	simm.s32 @p2 $0x1  }
0x17: {  	s4 =	simm.s32 $0x1BF5;
	[smem:$0x3FBC] =	sst s0  }
0x18: {  	s0 =	sld [smem:$0x3F9F];
	_ =	swait.ge [sflag:s4], $0x0  }
0x19: {  	s7 =	sld [smem:$0x3FA0]  }
0x1a: {  	s8 =	sadd.s32 $0xFFFFE003, lr  }
0x1b: {  	s9 =	sadd.s32 $0xFFFFFEF7, lr;
	s5 =	simm.s32 $0xFFFFFFFF;
	p2 =	slt.u32 s8, $0xFFFFF086  }
0x1c: {  	p1 =	slt.u32 s9, $0xF7A;
	s5 =	simm.s32 @!p2 $0x0  }
0x1d: {  	s5 =	simm.s32 @p1 $0x1;
	p0 =	seq.s32 s7, s2  }
0x1e: {  	s7 =	smul.u32 @!p0 $0xF7A, s2;
	p2 =	seq.s32 @!p0 s5, $0x0  }
0x1f: {  	s9 =	smul.u32 $0xF7A, s1;
	s8 =	simm.s32 @!p0 $0x1BF5;
	p2 =	por !p2, p0  }
0x20: {  	[sflag:s8] =	ssyncset.s32 @!p0 $0xFFFFF086;
	s6 =	sadd.s32 @!p0 s3, s7;
	s7 =	simm.s32 @!p0 $0x108  }
0x21: {  	s3 =	sadd.s32 s3, s9;
	s6 =	sadd.s32 @!p0 $0x88, s6;
	s7 =	simm.s32 @p2 $0x1082  }
0x22: {  	[simem:s7], [sflag:s8] =	dma.local @!p0 [hbm:s6], $0xF7A  }
0x23: {  	s9 =	sor.u32 $0xD0000000, s2;
	s6 =	simm.s32 $0x108;
	_ =	swait.ge @!p0 [sflag:s8], $0x0  }
0x24: {  	s3 =	sadd.s32 $0x88, s3;
	s6 =	simm.s32 @!p1 $0x1082;
	[sflag:s4] =	ssyncset.s32 $0xFFFFF086  }
0x25: {  	[simem:s6], [sflag:s4] =	dma.local [hbm:s3], $0xF7A  }
0x26: {  	[smem:$0x3FA0] =	sst s1;
	(tag) =	ssettag s2;
	_ =	strace s9  }
0x27: {  	s1 =	sld [smem:$0x3FB0]  }
0x28: {  	s2 =	sld [smem:$0x3FB1]  }
0x29: {  	s4 =	sld [smem:$0x3FB3]  }
0x2a: {  	p0 =	seq.s32 s5, $0x0;
	s5 =	sld [smem:$0x3FB4]  }
0x2b: {  	s6 =	sld [smem:$0x3FB5]  }
0x2c: {  	s7 =	sld [smem:$0x3FB6]  }
0x2d: {  	s3 =	simm.s32 $0x108;
	s8 =	sld [smem:$0x3FB7]  }
0x2e: {  	s3 =	simm.s32 @!p0 $0x1082;
	s9 =	sld [smem:$0x3FB8]  }
0x2f: {  	lr =	sadd.s32 s0, s3;
	s0 =	sld [smem:$0x3FAF]  }
0x30: {  	s3 =	sld [smem:$0x3FB2]  }
0x31: {  	[smem:$0x3FBB] =	sst s10  }
0x32: {  	s10 =	sld [smem:$0x3FB9];
	_ =	sdelay $0x3  }
0x33: {  	p0 =	seq.s32 s10, $0x1;
	s10 =	sld [smem:$0x3FBB];
	_ =	sdelay $0x3  }
0x34: {  	[smem:$0x3FBB] =	sst s10  }
0x35: {  	s10 =	sld [smem:$0x3FBA];
	_ =	sdelay $0x3  }
0x36: {  	p1 =	seq.s32 s10, $0x1;
	s10 =	sld [smem:$0x3FBB];
	_ =	sdelay $0x3  }
0x37: {  	[smem:$0x3FBB] =	sst s10  }
0x38: {  	s10 =	sld [smem:$0x3FBC]  }
0x39: {  	_ = 	snop;
	(pc) =	sbr.ind lr, $3  }
0x3a: {  	_ = 	snop  }
0x3b: {  	_ = 	snop  }
0x3c: {  	p2 =	seq.s32 s10, $0x1;
	s10 =	sld [smem:$0x3FBB]  }
0x3d: {  	_ =	shalt  }
0x3e: {  	_ =	shalt  }
0x3f: {  	_ =	shalt  }
0x40: {  	_ =	shalt  }
0x41: {  	_ =	shalt  }
0x42: {  	_ =	shalt  }
0x43: {  	_ =	shalt  }
0x44: {  	_ =	shalt  }
0x45: {  	_ =	shalt  }
0x46: {  	_ =	shalt  }
0x47: {  	_ =	shalt  }
0x48: {  	_ =	shalt  }
0x49: {  	_ =	shalt  }
0x4a: {  	_ =	shalt  }
0x4b: {  	_ =	shalt  }
0x4c: {  	_ =	shalt  }
0x4d: {  	_ =	shalt  }
0x4e: {  	_ =	shalt  }
0x4f: {  	_ =	shalt  }
0x50: {  	_ =	shalt  }
0x51: {  	_ =	shalt  }
0x52: {  	_ =	shalt  }
0x53: {  	_ =	shalt  }
0x54: {  	_ =	shalt  }
0x55: {  	_ =	shalt  }
0x56: {  	_ =	shalt  }
0x57: {  	_ =	shalt  }
0x58: {  	_ =	shalt  }
0x59: {  	_ =	shalt  }
0x5a: {  	_ =	shalt  }
0x5b: {  	_ =	shalt  }
0x5c: {  	_ =	shalt  }
0x5d: {  	_ =	shalt  }
0x5e: {  	_ =	shalt  }
0x5f: {  	_ =	shalt  }
0x60: {  	_ =	shalt  }
0x61: {  	_ =	shalt  }
0x62: {  	_ =	shalt  }
0x63: {  	_ =	shalt  }
0x64: {  	_ =	shalt  }
0x65: {  	_ =	shalt  }
0x66: {  	_ =	shalt  }
0x67: {  	_ =	shalt  }
0x68: {  	_ =	shalt  }
0x69: {  	_ =	shalt  }
0x6a: {  	_ =	shalt  }
0x6b: {  	_ =	shalt  }
0x6c: {  	_ =	shalt  }
0x6d: {  	_ =	shalt  }
0x6e: {  	_ =	shalt  }
0x6f: {  	_ =	shalt  }
0x70: {  	_ =	shalt  }
0x71: {  	_ =	shalt  }
0x72: {  	_ =	shalt  }
0x73: {  	_ =	shalt  }
0x74: {  	_ =	shalt  }
0x75: {  	_ =	shalt  }
0x76: {  	_ =	shalt  }
0x77: {  	_ =	shalt  }
0x78: {  	_ =	shalt  }
0x79: {  	_ =	shalt  }
0x7a: {  	_ =	shalt  }
0x7b: {  	_ =	shalt  }
0x7c: {  	_ =	shalt  }
0x7d: {  	_ =	shalt  }
0x7e: {  	_ =	shalt  }
0x7f: {  	_ =	shalt  }
0x80: {  	_ =	shalt  }
0x81: {  	_ =	shalt  }
0x82: {  	_ =	shalt  }
0x83: {  	_ =	shalt  }
0x84: {  	_ =	shalt  }
0x85: {  	_ =	shalt  }
0x86: {  	_ =	shalt  }
0x87: {  	_ =	shalt  }
.Lfunc_end0:
.L_simem_size_0:
called_computation_lowered:
.L_overlay_start_0:
0x88: {  	s0 =	sld [smem:$0x3FD9]  }
0x89: {  	s1 =	sld [smem:$0x3FFE];
	_ =	sdelay $0x3  }
0x8a: {  	s0 =	sadd.s32 s1, s0  }
0x8b: {  	s2 =	simm.s32 $0x0;
	[smem:$0x3FC7] =	sst s0  }
0x8c: {  	[smem:$0xF] =	sst s2  }
0x8d: {  	s4 =	sld [smem:$0x3FC9]  }
0x8e: {  	s0 =	sld [smem:$0x3FD0];
	(tm) =	ssettm $0x1  }
0x8f: {  	s12 =	sld [smem:$0x3FFB];
	_ =	sdelay $0x3  }
0x90: {  	_ =	strace s12  }
0x91: {  	s1 =	sld [smem:$0x3FFC];
	_ =	sdelay $0x3  }
0x92: {  	_ =	strace s1  }
0x93: {  	s1 =	sld [smem:$0x3FFD];
	_ =	sdelay $0x3  }
0x94: {  	_ =	strace s1  }
0x95: {  	s13 =	simm.s32 $0x1B8B;
	_ =	strace $0x8FFFFFFF  }
0x96: {  	_ =	swait.ge [sflag:s13], $0x1  }
0x97: {  	s5 =	sld [smem:$0x3FFE]  }
0x98: {  	s14 =	simm.s32 $0x1B8E;
	[sflag:s13] =	ssyncset.done $0x0  }
0x99: {  	s3 =	simm.s32 $0x9;
	s6 =	simm.s32 $0x10;
	[sflag:s13] =	ssyncadd.s32 $0xFFFFFFFF  }
0x9a: {  	s16 =	simm.s32 $0x90;
	s1 =	simm.s32 $0xA;
	[smem:$0x3FD2] =	sst s14  }
0x9b: {  	_ =	strace $0x80000046;
	s15 =	sadd.s32 $0x400, s5;
	s5 =	sadd.s32 $0x410, s5  }
0x9c: {  	[smem:s6], [sflag:s3] =	dma.local [hbm:s15], $0x10  }
0x9d: {  	[smem:s16], [sflag:s1] =	dma.local [hbm:s5], $0x10  }
0x9e: {  	_ =	swait.ge [sflag:s3], $0x10  }
0x9f: {  	[sflag:s3] =	ssyncset.done $0x0  }
0xa0: {  	[sflag:s3] =	ssyncadd.s32 $0xFFFFFFF0  }
0xa1: {  	s17 =	sld [smem:$0x10]  }
0xa2: {  	s18 =	sld [smem:$0x11]  }
0xa3: {  	s7 =	sld [smem:$0x12]  }
0xa4: {  	s8 =	sld [smem:$0x13]  }
0xa5: {  	s20 =	sld [smem:$0x14]  }
0xa6: {  	s21 =	sld [smem:$0x15]  }
0xa7: {  	s22 =	sld [smem:$0x16]  }
0xa8: {  	s23 =	sld [smem:$0x17]  }
0xa9: {  	s24 =	sld [smem:$0x18]  }
0xaa: {  	s25 =	sld [smem:$0x19]  }
0xab: {  	s26 =	sld [smem:$0x1A]  }
0xac: {  	s28 =	sld [smem:$0x1B]  }
0xad: {  	s29 =	sld [smem:$0x1C]  }
0xae: {  	s30 =	sld [smem:$0x1D]  }
0xaf: {  	s31 =	sld [smem:$0x1E]  }
0xb0: {  	s10 =	sld [smem:$0x1F]  }
0xb1: {  	s11 =	sld [smem:$0x20]  }
0xb2: {  	s12 =	sld [smem:$0x21]  }
0xb3: {  	s13 =	sld [smem:$0x22]  }
0xb4: {  	s14 =	sld [smem:$0x23]  }
0xb5: {  	s15 =	sld [smem:$0x24]  }
0xb6: {  	s16 =	sld [smem:$0x25];
	s9 =	smax.f32 s17, s18  }
0xb7: {  	p0 =	sgt.f32 s18, s17;
	s17 =	sld [smem:$0x26]  }
0xb8: {  	s18 =	sld [smem:$0x27]  }
0xb9: {  	s5 =	simm.s32 $0x10000;
	p1 =	sgt.f32 s7, s9;
	s19 =	smax.f32 s9, s7  }
0xba: {  	s9 =	sld [smem:$0x49];
	s5 =	simm.s32 @!p0 $0x0;
	p0 =	sgt.f32 s8, s19  }
0xbb: {  	s6 =	smax.f32 s19, s8;
	s19 =	sld [smem:$0x28]  }
0xbc: {  	s5 =	simm.s32 @p1 $0x20000;
	p1 =	sgt.f32 s20, s6;
	s6 =	smax.f32 s6, s20  }
0xbd: {  	s20 =	sld [smem:$0x29];
	s5 =	simm.s32 @p0 $0x30000;
	p0 =	sgt.f32 s21, s6  }
0xbe: {  	s6 =	smax.f32 s6, s21;
	s21 =	sld [smem:$0x2A]  }
0xbf: {  	s5 =	simm.s32 @p1 $0x40000;
	p1 =	sgt.f32 s22, s6;
	s6 =	smax.f32 s6, s22  }
0xc0: {  	s22 =	sld [smem:$0x2B];
	s5 =	simm.s32 @p0 $0x50000;
	p0 =	sgt.f32 s23, s6  }
0xc1: {  	s6 =	smax.f32 s6, s23;
	s23 =	sld [smem:$0x2C]  }
0xc2: {  	s5 =	simm.s32 @p1 $0x60000;
	p1 =	sgt.f32 s24, s6;
	s6 =	smax.f32 s6, s24  }
0xc3: {  	s24 =	sld [smem:$0x2D];
	s5 =	simm.s32 @p0 $0x70000;
	p0 =	sgt.f32 s25, s6  }
0xc4: {  	s6 =	smax.f32 s6, s25;
	s25 =	sld [smem:$0x2E]  }
0xc5: {  	s5 =	simm.s32 @p1 $0x80000;
	p1 =	sgt.f32 s26, s6;
	s6 =	smax.f32 s6, s26  }
0xc6: {  	s26 =	sld [smem:$0x2F];
	s5 =	simm.s32 @p0 $0x90000;
	p0 =	sgt.f32 s28, s6  }
0xc7: {  	s6 =	smax.f32 s6, s28;
	s28 =	sld [smem:$0x30]  }
0xc8: {  	s5 =	simm.s32 @p1 $0xA0000;
	p1 =	sgt.f32 s29, s6;
	s6 =	smax.f32 s6, s29  }
0xc9: {  	s29 =	sld [smem:$0x31];
	s5 =	simm.s32 @p0 $0xB0000;
	p0 =	sgt.f32 s30, s6  }
0xca: {  	s6 =	smax.f32 s6, s30;
	s30 =	sld [smem:$0x32]  }
0xcb: {  	s5 =	simm.s32 @p1 $0xC0000;
	p1 =	sgt.f32 s31, s6;
	s6 =	smax.f32 s6, s31  }
0xcc: {  	s31 =	sld [smem:$0x33];
	s5 =	simm.s32 @p0 $0xD0000;
	p0 =	sgt.f32 s10, s6  }
0xcd: {  	s6 =	smax.f32 s6, s10;
	s10 =	sld [smem:$0x34]  }
0xce: {  	s5 =	simm.s32 @p1 $0xE0000;
	p1 =	sgt.f32 s11, s6;
	s6 =	smax.f32 s6, s11  }
0xcf: {  	s11 =	sld [smem:$0x35];
	s5 =	simm.s32 @p0 $0xF0000;
	p0 =	sgt.f32 s12, s6  }
0xd0: {  	s6 =	smax.f32 s6, s12;
	s12 =	sld [smem:$0x36]  }
0xd1: {  	s5 =	simm.s32 @p1 $0x100000;
	p1 =	sgt.f32 s13, s6;
	s6 =	smax.f32 s6, s13  }
0xd2: {  	s13 =	sld [smem:$0x37];
	s5 =	simm.s32 @p0 $0x110000;
	p0 =	sgt.f32 s14, s6  }
0xd3: {  	s6 =	smax.f32 s6, s14;
	s14 =	sld [smem:$0x38]  }
0xd4: {  	s5 =	simm.s32 @p1 $0x120000;
	p1 =	sgt.f32 s15, s6;
	s6 =	smax.f32 s6, s15  }
0xd5: {  	s15 =	sld [smem:$0x39];
	s5 =	simm.s32 @p0 $0x130000;
	p0 =	sgt.f32 s16, s6  }
0xd6: {  	s6 =	smax.f32 s6, s16;
	s16 =	sld [smem:$0x3A]  }
0xd7: {  	s5 =	simm.s32 @p1 $0x140000;
	p1 =	sgt.f32 s17, s6;
	s6 =	smax.f32 s6, s17  }
0xd8: {  	s17 =	sld [smem:$0x3B];
	s5 =	simm.s32 @p0 $0x150000;
	p0 =	sgt.f32 s18, s6  }
0xd9: {  	s6 =	smax.f32 s6, s18;
	s18 =	sld [smem:$0x3C]  }
0xda: {  	s5 =	simm.s32 @p1 $0x160000;
	p1 =	sgt.f32 s19, s6;
	s6 =	smax.f32 s6, s19  }
0xdb: {  	s19 =	sld [smem:$0x3D];
	s5 =	simm.s32 @p0 $0x170000;
	p0 =	sgt.f32 s20, s6  }
0xdc: {  	s6 =	smax.f32 s6, s20;
	s20 =	sld [smem:$0x3E]  }
0xdd: {  	s5 =	simm.s32 @p1 $0x180000;
	p1 =	sgt.f32 s21, s6;
	s6 =	smax.f32 s6, s21  }
0xde: {  	s21 =	sld [smem:$0x3F];
	s5 =	simm.s32 @p0 $0x190000;
	p0 =	sgt.f32 s22, s6  }
0xdf: {  	s6 =	smax.f32 s6, s22;
	s22 =	sld [smem:$0x40]  }
0xe0: {  	s5 =	simm.s32 @p1 $0x1A0000;
	p1 =	sgt.f32 s23, s6;
	s6 =	smax.f32 s6, s23  }
0xe1: {  	s23 =	sld [smem:$0x41];
	s5 =	simm.s32 @p0 $0x1B0000;
	p0 =	sgt.f32 s24, s6  }
0xe2: {  	s6 =	smax.f32 s6, s24;
	s24 =	sld [smem:$0x42]  }
0xe3: {  	s5 =	simm.s32 @p1 $0x1C0000;
	p1 =	sgt.f32 s25, s6;
	s6 =	smax.f32 s6, s25  }
0xe4: {  	s25 =	sld [smem:$0x43];
	s5 =	simm.s32 @p0 $0x1D0000;
	p0 =	sgt.f32 s26, s6  }
0xe5: {  	s6 =	smax.f32 s6, s26;
	s26 =	sld [smem:$0x44]  }
0xe6: {  	s5 =	simm.s32 @p1 $0x1E0000;
	p1 =	sgt.f32 s28, s6;
	s6 =	smax.f32 s6, s28  }
0xe7: {  	s28 =	sld [smem:$0x45];
	s5 =	simm.s32 @p0 $0x1F0000;
	p0 =	sgt.f32 s29, s6  }
0xe8: {  	s6 =	smax.f32 s6, s29;
	s29 =	sld [smem:$0x46]  }
0xe9: {  	s5 =	simm.s32 @p1 $0x200000;
	p1 =	sgt.f32 s30, s6;
	s6 =	smax.f32 s6, s30  }
0xea: {  	s30 =	sld [smem:$0x47];
	s5 =	simm.s32 @p0 $0x210000;
	p0 =	sgt.f32 s31, s6  }
0xeb: {  	s6 =	smax.f32 s6, s31;
	s31 =	sld [smem:$0x48]  }
0xec: {  	s5 =	simm.s32 @p1 $0x220000;
	p1 =	sgt.f32 s10, s6;
	s6 =	smax.f32 s6, s10  }
0xed: {  	s10 =	sld [smem:$0x4A];
	s5 =	simm.s32 @p0 $0x230000;
	p0 =	sgt.f32 s11, s6  }
0xee: {  	s6 =	smax.f32 s6, s11;
	s11 =	sld [smem:$0x4B]  }
0xef: {  	s5 =	simm.s32 @p1 $0x240000;
	p1 =	sgt.f32 s12, s6;
	s6 =	smax.f32 s6, s12  }
0xf0: {  	s12 =	sld [smem:$0x4C];
	s5 =	simm.s32 @p0 $0x250000;
	p0 =	sgt.f32 s13, s6  }
0xf1: {  	s6 =	smax.f32 s6, s13;
	s13 =	sld [smem:$0x4D]  }
0xf2: {  	s5 =	simm.s32 @p1 $0x260000;
	p1 =	sgt.f32 s14, s6;
	s6 =	smax.f32 s6, s14  }
0xf3: {  	s14 =	sld [smem:$0x4E];
	s5 =	simm.s32 @p0 $0x270000;
	p0 =	sgt.f32 s15, s6  }
0xf4: {  	s6 =	smax.f32 s6, s15;
	s15 =	sld [smem:$0x4F]  }
0xf5: {  	s5 =	simm.s32 @p1 $0x280000;
	p1 =	sgt.f32 s16, s6;
	s6 =	smax.f32 s6, s16  }
0xf6: {  	s16 =	sld [smem:$0x50];
	s5 =	simm.s32 @p0 $0x290000;
	p0 =	sgt.f32 s17, s6  }
0xf7: {  	s6 =	smax.f32 s6, s17;
	s17 =	sld [smem:$0x51]  }
0xf8: {  	s5 =	simm.s32 @p1 $0x2A0000;
	p1 =	sgt.f32 s18, s6;
	s6 =	smax.f32 s6, s18  }
0xf9: {  	s18 =	sld [smem:$0x52];
	s5 =	simm.s32 @p0 $0x2B0000;
	p0 =	sgt.f32 s19, s6  }
0xfa: {  	s6 =	smax.f32 s6, s19;
	s19 =	sld [smem:$0x53]  }
0xfb: {  	s5 =	simm.s32 @p1 $0x2C0000;
	p1 =	sgt.f32 s20, s6;
	s6 =	smax.f32 s6, s20  }
0xfc: {  	s20 =	sld [smem:$0x54];
	s5 =	simm.s32 @p0 $0x2D0000;
	p0 =	sgt.f32 s21, s6  }
0xfd: {  	s6 =	smax.f32 s6, s21;
	s21 =	sld [smem:$0x55]  }
0xfe: {  	s5 =	simm.s32 @p1 $0x2E0000;
	p1 =	sgt.f32 s22, s6;
	s6 =	smax.f32 s6, s22  }
0xff: {  	s22 =	sld [smem:$0x56];
	s5 =	simm.s32 @p0 $0x2F0000;
	p0 =	sgt.f32 s23, s6  }
0x100: {  	s6 =	smax.f32 s6, s23;
	s23 =	sld [smem:$0x57]  }
0x101: {  	s5 =	simm.s32 @p1 $0x300000;
	p1 =	sgt.f32 s24, s6;
	s6 =	smax.f32 s6, s24  }
0x102: {  	s24 =	sld [smem:$0x58];
	s5 =	simm.s32 @p0 $0x310000;
	p0 =	sgt.f32 s25, s6  }
0x103: {  	s6 =	smax.f32 s6, s25;
	s25 =	sld [smem:$0x59]  }
0x104: {  	s5 =	simm.s32 @p1 $0x320000;
	p1 =	sgt.f32 s26, s6;
	s6 =	smax.f32 s6, s26  }
0x105: {  	s26 =	sld [smem:$0x5A];
	s5 =	simm.s32 @p0 $0x330000;
	p0 =	sgt.f32 s28, s6  }
0x106: {  	s6 =	smax.f32 s6, s28;
	s28 =	sld [smem:$0x5B]  }
0x107: {  	s5 =	simm.s32 @p1 $0x340000;
	p1 =	sgt.f32 s29, s6;
	s6 =	smax.f32 s6, s29  }
0x108: {  	s29 =	sld [smem:$0x5C];
	s5 =	simm.s32 @p0 $0x350000;
	p0 =	sgt.f32 s30, s6  }
0x109: {  	s6 =	smax.f32 s6, s30;
	s30 =	sld [smem:$0x5D]  }
0x10a: {  	s5 =	simm.s32 @p1 $0x360000;
	p1 =	sgt.f32 s31, s6;
	s6 =	smax.f32 s6, s31  }
0x10b: {  	s31 =	sld [smem:$0x5E];
	s5 =	simm.s32 @p0 $0x370000;
	p0 =	sgt.f32 s9, s6  }
0x10c: {  	s6 =	smax.f32 s6, s9;
	s9 =	sld [smem:$0x89]  }
0x10d: {  	s5 =	simm.s32 @p1 $0x380000;
	p1 =	sgt.f32 s10, s6;
	s6 =	smax.f32 s6, s10  }
0x10e: {  	s10 =	sld [smem:$0x5F];
	s5 =	simm.s32 @p0 $0x390000;
	p0 =	sgt.f32 s11, s6  }
0x10f: {  	s6 =	smax.f32 s6, s11;
	s11 =	sld [smem:$0x60]  }
0x110: {  	s5 =	simm.s32 @p1 $0x3A0000;
	p1 =	sgt.f32 s12, s6;
	s6 =	smax.f32 s6, s12  }
0x111: {  	s12 =	sld [smem:$0x61];
	s5 =	simm.s32 @p0 $0x3B0000;
	p0 =	sgt.f32 s13, s6  }
0x112: {  	s6 =	smax.f32 s6, s13;
	s13 =	sld [smem:$0x62]  }
0x113: {  	s5 =	simm.s32 @p1 $0x3C0000;
	p1 =	sgt.f32 s14, s6;
	s6 =	smax.f32 s6, s14  }
0x114: {  	s14 =	sld [smem:$0x63];
	s5 =	simm.s32 @p0 $0x3D0000;
	p0 =	sgt.f32 s15, s6  }
0x115: {  	s6 =	smax.f32 s6, s15;
	s15 =	sld [smem:$0x64]  }
0x116: {  	s5 =	simm.s32 @p1 $0x3E0000;
	p1 =	sgt.f32 s16, s6;
	s6 =	smax.f32 s6, s16  }
0x117: {  	s16 =	sld [smem:$0x65];
	s5 =	simm.s32 @p0 $0x3F0000;
	p0 =	sgt.f32 s17, s6  }
0x118: {  	s6 =	smax.f32 s6, s17;
	s17 =	sld [smem:$0x66]  }
0x119: {  	s5 =	simm.s32 @p1 $0x400000;
	p1 =	sgt.f32 s18, s6;
	s6 =	smax.f32 s6, s18  }
0x11a: {  	s18 =	sld [smem:$0x67];
	s5 =	simm.s32 @p0 $0x410000;
	p0 =	sgt.f32 s19, s6  }
0x11b: {  	s6 =	smax.f32 s6, s19;
	s19 =	sld [smem:$0x68]  }
0x11c: {  	s5 =	simm.s32 @p1 $0x420000;
	p1 =	sgt.f32 s20, s6;
	s6 =	smax.f32 s6, s20  }
0x11d: {  	s20 =	sld [smem:$0x69];
	s5 =	simm.s32 @p0 $0x430000;
	p0 =	sgt.f32 s21, s6  }
0x11e: {  	s6 =	smax.f32 s6, s21;
	s21 =	sld [smem:$0x6A]  }
0x11f: {  	s5 =	simm.s32 @p1 $0x440000;
	p1 =	sgt.f32 s22, s6;
	s6 =	smax.f32 s6, s22  }
0x120: {  	s22 =	sld [smem:$0x6B];
	s5 =	simm.s32 @p0 $0x450000;
	p0 =	sgt.f32 s23, s6  }
0x121: {  	s6 =	smax.f32 s6, s23;
	s23 =	sld [smem:$0x6C]  }
0x122: {  	s5 =	simm.s32 @p1 $0x460000;
	p1 =	sgt.f32 s24, s6;
	s6 =	smax.f32 s6, s24  }
0x123: {  	s24 =	sld [smem:$0x6D];
	s5 =	simm.s32 @p0 $0x470000;
	p0 =	sgt.f32 s25, s6  }
0x124: {  	s6 =	smax.f32 s6, s25;
	s25 =	sld [smem:$0x6E]  }
0x125: {  	s5 =	simm.s32 @p1 $0x480000;
	p1 =	sgt.f32 s26, s6;
	s6 =	smax.f32 s6, s26  }
0x126: {  	s26 =	sld [smem:$0x6F];
	s5 =	simm.s32 @p0 $0x490000;
	p0 =	sgt.f32 s28, s6  }
0x127: {  	s6 =	smax.f32 s6, s28;
	s28 =	sld [smem:$0x70]  }
0x128: {  	s5 =	simm.s32 @p1 $0x4A0000;
	p1 =	sgt.f32 s29, s6;
	s6 =	smax.f32 s6, s29  }
0x129: {  	s29 =	sld [smem:$0x71];
	s5 =	simm.s32 @p0 $0x4B0000;
	p0 =	sgt.f32 s30, s6  }
0x12a: {  	s6 =	smax.f32 s6, s30;
	s30 =	sld [smem:$0x72]  }
0x12b: {  	s5 =	simm.s32 @p1 $0x4C0000;
	p1 =	sgt.f32 s31, s6;
	s6 =	smax.f32 s6, s31  }
0x12c: {  	s31 =	sld [smem:$0x73];
	s5 =	simm.s32 @p0 $0x4D0000;
	p0 =	sgt.f32 s10, s6  }
0x12d: {  	s6 =	smax.f32 s6, s10;
	s10 =	sld [smem:$0x74]  }
0x12e: {  	s5 =	simm.s32 @p1 $0x4E0000;
	p1 =	sgt.f32 s11, s6;
	s6 =	smax.f32 s6, s11  }
0x12f: {  	s11 =	sld [smem:$0x75];
	s5 =	simm.s32 @p0 $0x4F0000;
	p0 =	sgt.f32 s12, s6  }
0x130: {  	s6 =	smax.f32 s6, s12;
	s12 =	sld [smem:$0x76]  }
0x131: {  	s5 =	simm.s32 @p1 $0x500000;
	p1 =	sgt.f32 s13, s6;
	s6 =	smax.f32 s6, s13  }
0x132: {  	s13 =	sld [smem:$0x77];
	s5 =	simm.s32 @p0 $0x510000;
	p0 =	sgt.f32 s14, s6  }
0x133: {  	s6 =	smax.f32 s6, s14;
	s14 =	sld [smem:$0x78]  }
0x134: {  	s5 =	simm.s32 @p1 $0x520000;
	p1 =	sgt.f32 s15, s6;
	s6 =	smax.f32 s6, s15  }
0x135: {  	s15 =	sld [smem:$0x79];
	s5 =	simm.s32 @p0 $0x530000;
	p0 =	sgt.f32 s16, s6  }
0x136: {  	s6 =	smax.f32 s6, s16;
	s16 =	sld [smem:$0x7A]  }
0x137: {  	s5 =	simm.s32 @p1 $0x540000;
	p1 =	sgt.f32 s17, s6;
	s6 =	smax.f32 s6, s17  }
0x138: {  	s17 =	sld [smem:$0x7B];
	s5 =	simm.s32 @p0 $0x550000;
	p0 =	sgt.f32 s18, s6  }
0x139: {  	s6 =	smax.f32 s6, s18;
	s18 =	sld [smem:$0x7C]  }
0x13a: {  	s5 =	simm.s32 @p1 $0x560000;
	p1 =	sgt.f32 s19, s6;
	s6 =	smax.f32 s6, s19  }
0x13b: {  	s19 =	sld [smem:$0x7D];
	s5 =	simm.s32 @p0 $0x570000;
	p0 =	sgt.f32 s20, s6  }
0x13c: {  	s6 =	smax.f32 s6, s20;
	s20 =	sld [smem:$0x7E]  }
0x13d: {  	s5 =	simm.s32 @p1 $0x580000;
	p1 =	sgt.f32 s21, s6;
	s6 =	smax.f32 s6, s21  }
0x13e: {  	s21 =	sld [smem:$0x7F];
	s5 =	simm.s32 @p0 $0x590000;
	p0 =	sgt.f32 s22, s6  }
0x13f: {  	s6 =	smax.f32 s6, s22;
	s22 =	sld [smem:$0x80]  }
0x140: {  	s5 =	simm.s32 @p1 $0x5A0000;
	p1 =	sgt.f32 s23, s6;
	s6 =	smax.f32 s6, s23  }
0x141: {  	s23 =	sld [smem:$0x81];
	s5 =	simm.s32 @p0 $0x5B0000;
	p0 =	sgt.f32 s24, s6  }
0x142: {  	s6 =	smax.f32 s6, s24;
	s24 =	sld [smem:$0x82]  }
0x143: {  	s5 =	simm.s32 @p1 $0x5C0000;
	p1 =	sgt.f32 s25, s6;
	s6 =	smax.f32 s6, s25  }
0x144: {  	s25 =	sld [smem:$0x83];
	s5 =	simm.s32 @p0 $0x5D0000;
	p0 =	sgt.f32 s26, s6  }
0x145: {  	s6 =	smax.f32 s6, s26;
	s26 =	sld [smem:$0x84]  }
0x146: {  	s5 =	simm.s32 @p1 $0x5E0000;
	p1 =	sgt.f32 s28, s6;
	s6 =	smax.f32 s6, s28  }
0x147: {  	s28 =	sld [smem:$0x85];
	s5 =	simm.s32 @p0 $0x5F0000;
	p0 =	sgt.f32 s29, s6  }
0x148: {  	s6 =	smax.f32 s6, s29;
	s29 =	sld [smem:$0x86]  }
0x149: {  	s5 =	simm.s32 @p1 $0x600000;
	p1 =	sgt.f32 s30, s6;
	s6 =	smax.f32 s6, s30  }
0x14a: {  	s30 =	sld [smem:$0x87];
	s5 =	simm.s32 @p0 $0x610000;
	p0 =	sgt.f32 s31, s6  }
0x14b: {  	s6 =	smax.f32 s6, s31;
	s31 =	sld [smem:$0x88]  }
0x14c: {  	s5 =	simm.s32 @p1 $0x620000;
	p1 =	sgt.f32 s10, s6;
	s6 =	smax.f32 s6, s10  }
0x14d: {  	s10 =	sld [smem:$0x8A];
	s5 =	simm.s32 @p0 $0x630000;
	p0 =	sgt.f32 s11, s6  }
0x14e: {  	s6 =	smax.f32 s6, s11;
	s11 =	sld [smem:$0x8B]  }
0x14f: {  	s5 =	simm.s32 @p1 $0x640000;
	p1 =	sgt.f32 s12, s6;
	s6 =	smax.f32 s6, s12  }
0x150: {  	s12 =	sld [smem:$0x8C];
	s5 =	simm.s32 @p0 $0x650000;
	p0 =	sgt.f32 s13, s6  }
0x151: {  	s6 =	smax.f32 s6, s13;
	s13 =	sld [smem:$0x8D]  }
0x152: {  	s5 =	simm.s32 @p1 $0x660000;
	p1 =	sgt.f32 s14, s6;
	s6 =	smax.f32 s6, s14  }
0x153: {  	s5 =	simm.s32 @p0 $0x670000;
	p0 =	sgt.f32 s15, s6;
	s6 =	smax.f32 s6, s15  }
0x154: {  	s5 =	simm.s32 @p1 $0x680000;
	p1 =	sgt.f32 s16, s6;
	s6 =	smax.f32 s6, s16  }
0x155: {  	s5 =	simm.s32 @p0 $0x690000;
	p0 =	sgt.f32 s17, s6;
	s6 =	smax.f32 s6, s17  }
0x156: {  	s5 =	simm.s32 @p1 $0x6A0000;
	p1 =	sgt.f32 s18, s6;
	s6 =	smax.f32 s6, s18  }
0x157: {  	s5 =	simm.s32 @p0 $0x6B0000;
	p0 =	sgt.f32 s19, s6;
	s6 =	smax.f32 s6, s19  }
0x158: {  	s5 =	simm.s32 @p1 $0x6C0000;
	p1 =	sgt.f32 s20, s6;
	s6 =	smax.f32 s6, s20  }
0x159: {  	s5 =	simm.s32 @p0 $0x6D0000;
	p0 =	sgt.f32 s21, s6;
	s6 =	smax.f32 s6, s21  }
0x15a: {  	s5 =	simm.s32 @p1 $0x6E0000;
	p1 =	sgt.f32 s22, s6;
	s6 =	smax.f32 s6, s22  }
0x15b: {  	s5 =	simm.s32 @p0 $0x6F0000;
	p0 =	sgt.f32 s23, s6;
	s6 =	smax.f32 s6, s23  }
0x15c: {  	s5 =	simm.s32 @p1 $0x700000;
	p1 =	sgt.f32 s24, s6;
	s6 =	smax.f32 s6, s24  }
0x15d: {  	s5 =	simm.s32 @p0 $0x710000;
	p0 =	sgt.f32 s25, s6;
	s6 =	smax.f32 s6, s25  }
0x15e: {  	s5 =	simm.s32 @p1 $0x720000;
	p1 =	sgt.f32 s26, s6;
	s6 =	smax.f32 s6, s26  }
0x15f: {  	s5 =	simm.s32 @p0 $0x730000;
	p0 =	sgt.f32 s28, s6;
	s6 =	smax.f32 s6, s28  }
0x160: {  	s5 =	simm.s32 @p1 $0x740000;
	p1 =	sgt.f32 s29, s6;
	s6 =	smax.f32 s6, s29  }
0x161: {  	s5 =	simm.s32 @p0 $0x750000;
	p0 =	sgt.f32 s30, s6;
	s6 =	smax.f32 s6, s30  }
0x162: {  	s5 =	simm.s32 @p1 $0x760000;
	p1 =	sgt.f32 s31, s6;
	s6 =	smax.f32 s6, s31  }
0x163: {  	s5 =	simm.s32 @p0 $0x770000;
	p0 =	sgt.f32 s9, s6;
	s6 =	smax.f32 s6, s9  }
0x164: {  	s14 =	sld [smem:$0x8E];
	s5 =	simm.s32 @p1 $0x780000;
	p1 =	sgt.f32 s10, s6  }
0x165: {  	s6 =	smax.f32 s6, s10;
	s10 =	sld [smem:$0x8F];
	_ =	swait.ge [sflag:s1], $0x10  }
0x166: {  	[sflag:s1] =	ssyncset.done $0x0  }
0x167: {  	[sflag:s1] =	ssyncadd.s32 $0xFFFFFFF0  }
0x168: {  	s15 =	sld [smem:$0x90]  }
0x169: {  	s16 =	sld [smem:$0x91]  }
0x16a: {  	s17 =	sld [smem:$0x92]  }
0x16b: {  	s18 =	sld [smem:$0x93]  }
0x16c: {  	s19 =	sld [smem:$0x94]  }
0x16d: {  	s20 =	sld [smem:$0x95]  }
0x16e: {  	s21 =	sld [smem:$0x96]  }
0x16f: {  	s22 =	sld [smem:$0x97]  }
0x170: {  	s23 =	sld [smem:$0x98]  }
0x171: {  	s24 =	sld [smem:$0x99]  }
0x172: {  	s25 =	sld [smem:$0x9A]  }
0x173: {  	s26 =	sld [smem:$0x9B]  }
0x174: {  	s28 =	sld [smem:$0x9C]  }
0x175: {  	s5 =	simm.s32 @p0 $0x790000;
	p0 =	sgt.f32 s11, s6;
	s29 =	sld [smem:$0x9D]  }
0x176: {  	s6 =	smax.f32 s6, s11;
	s30 =	sld [smem:$0x9E]  }
0x177: {  	s5 =	simm.s32 @p1 $0x7A0000;
	p1 =	sgt.f32 s12, s6;
	s31 =	sld [smem:$0x9F]  }
0x178: {  	s6 =	smax.f32 s6, s12;
	s11 =	sld [smem:$0xA1]  }
0x179: {  	s5 =	simm.s32 @p0 $0x7B0000;
	p0 =	sgt.f32 s13, s6;
	s12 =	sld [smem:$0xA2]  }
0x17a: {  	s6 =	smax.f32 s6, s13;
	s13 =	sld [smem:$0xA3]  }
0x17b: {  	s9 =	sld [smem:$0xB5];
	s5 =	simm.s32 @p1 $0x7C0000;
	p1 =	sgt.f32 s14, s6  }
0x17c: {  	s6 =	smax.f32 s6, s14;
	s14 =	sld [smem:$0xA4]  }
0x17d: {  	s5 =	simm.s32 @p0 $0x7D0000;
	p0 =	sgt.f32 s10, s6;
	s6 =	smax.f32 s6, s10  }
0x17e: {  	s10 =	sld [smem:$0xA0];
	s5 =	simm.s32 @p1 $0x7E0000;
	p1 =	sgt.f32 s15, s6  }
0x17f: {  	s6 =	smax.f32 s6, s15;
	s15 =	sld [smem:$0xA5]  }
0x180: {  	s5 =	simm.s32 @p0 $0x7F0000;
	p0 =	sgt.f32 s16, s6;
	s6 =	smax.f32 s6, s16  }
0x181: {  	s16 =	sld [smem:$0xA6];
	s5 =	simm.s32 @p1 $0x800000;
	p1 =	sgt.f32 s17, s6  }
0x182: {  	s6 =	smax.f32 s6, s17;
	s17 =	sld [smem:$0xA7]  }
0x183: {  	s5 =	simm.s32 @p0 $0x810000;
	p0 =	sgt.f32 s18, s6;
	s6 =	smax.f32 s6, s18  }
0x184: {  	s18 =	sld [smem:$0xA8];
	s5 =	simm.s32 @p1 $0x820000;
	p1 =	sgt.f32 s19, s6  }
0x185: {  	s6 =	smax.f32 s6, s19;
	s19 =	sld [smem:$0xA9]  }
0x186: {  	s5 =	simm.s32 @p0 $0x830000;
	p0 =	sgt.f32 s20, s6;
	s6 =	smax.f32 s6, s20  }
0x187: {  	s20 =	sld [smem:$0xAA];
	s5 =	simm.s32 @p1 $0x840000;
	p1 =	sgt.f32 s21, s6  }
0x188: {  	s6 =	smax.f32 s6, s21;
	s21 =	sld [smem:$0xAB]  }
0x189: {  	s5 =	simm.s32 @p0 $0x850000;
	p0 =	sgt.f32 s22, s6;
	s6 =	smax.f32 s6, s22  }
0x18a: {  	s22 =	sld [smem:$0xAC];
	s5 =	simm.s32 @p1 $0x860000;
	p1 =	sgt.f32 s23, s6  }
0x18b: {  	s6 =	smax.f32 s6, s23;
	s23 =	sld [smem:$0xAD]  }
0x18c: {  	s5 =	simm.s32 @p0 $0x870000;
	p0 =	sgt.f32 s24, s6;
	s6 =	smax.f32 s6, s24  }
0x18d: {  	s24 =	sld [smem:$0xAE];
	s5 =	simm.s32 @p1 $0x880000;
	p1 =	sgt.f32 s25, s6  }
0x18e: {  	s6 =	smax.f32 s6, s25;
	s25 =	sld [smem:$0xAF]  }
0x18f: {  	s5 =	simm.s32 @p0 $0x890000;
	p0 =	sgt.f32 s26, s6;
	s6 =	smax.f32 s6, s26  }
0x190: {  	s26 =	sld [smem:$0xB0];
	s5 =	simm.s32 @p1 $0x8A0000;
	p1 =	sgt.f32 s28, s6  }
0x191: {  	s6 =	smax.f32 s6, s28;
	s28 =	sld [smem:$0xB1]  }
0x192: {  	s5 =	simm.s32 @p0 $0x8B0000;
	p0 =	sgt.f32 s29, s6;
	s6 =	smax.f32 s6, s29  }
0x193: {  	s29 =	sld [smem:$0xB2];
	s5 =	simm.s32 @p1 $0x8C0000;
	p1 =	sgt.f32 s30, s6  }
0x194: {  	s6 =	smax.f32 s6, s30;
	s30 =	sld [smem:$0xB3]  }
0x195: {  	s5 =	simm.s32 @p0 $0x8D0000;
	p0 =	sgt.f32 s31, s6;
	s6 =	smax.f32 s6, s31  }
0x196: {  	s31 =	sld [smem:$0xB4];
	s5 =	simm.s32 @p1 $0x8E0000;
	p1 =	sgt.f32 s10, s6  }
0x197: {  	s6 =	smax.f32 s6, s10;
	s10 =	sld [smem:$0xB6]  }
0x198: {  	s5 =	simm.s32 @p0 $0x8F0000;
	p0 =	sgt.f32 s11, s6;
	s6 =	smax.f32 s6, s11  }
0x199: {  	s11 =	sld [smem:$0xB7];
	s5 =	simm.s32 @p1 $0x900000;
	p1 =	sgt.f32 s12, s6  }
0x19a: {  	s6 =	smax.f32 s6, s12;
	s12 =	sld [smem:$0xB8]  }
0x19b: {  	s5 =	simm.s32 @p0 $0x910000;
	p0 =	sgt.f32 s13, s6;
	s6 =	smax.f32 s6, s13  }
0x19c: {  	s13 =	sld [smem:$0xB9];
	s5 =	simm.s32 @p1 $0x920000;
	p1 =	sgt.f32 s14, s6  }
0x19d: {  	s6 =	smax.f32 s6, s14;
	s14 =	sld [smem:$0xBA]  }
0x19e: {  	s5 =	simm.s32 @p0 $0x930000;
	p0 =	sgt.f32 s15, s6;
	s6 =	smax.f32 s6, s15  }
0x19f: {  	s15 =	sld [smem:$0xBB];
	s5 =	simm.s32 @p1 $0x940000;
	p1 =	sgt.f32 s16, s6  }
0x1a0: {  	s6 =	smax.f32 s6, s16;
	s16 =	sld [smem:$0xBC]  }
0x1a1: {  	s5 =	simm.s32 @p0 $0x950000;
	p0 =	sgt.f32 s17, s6;
	s6 =	smax.f32 s6, s17  }
0x1a2: {  	s17 =	sld [smem:$0xBD];
	s5 =	simm.s32 @p1 $0x960000;
	p1 =	sgt.f32 s18, s6  }
0x1a3: {  	s6 =	smax.f32 s6, s18;
	s18 =	sld [smem:$0xBE]  }
0x1a4: {  	s5 =	simm.s32 @p0 $0x970000;
	p0 =	sgt.f32 s19, s6;
	s6 =	smax.f32 s6, s19  }
0x1a5: {  	s19 =	sld [smem:$0xBF];
	s5 =	simm.s32 @p1 $0x980000;
	p1 =	sgt.f32 s20, s6  }
0x1a6: {  	s6 =	smax.f32 s6, s20;
	s20 =	sld [smem:$0xC0]  }
0x1a7: {  	s5 =	simm.s32 @p0 $0x990000;
	p0 =	sgt.f32 s21, s6;
	s6 =	smax.f32 s6, s21  }
0x1a8: {  	s21 =	sld [smem:$0xC1];
	s5 =	simm.s32 @p1 $0x9A0000;
	p1 =	sgt.f32 s22, s6  }
0x1a9: {  	s6 =	smax.f32 s6, s22;
	s22 =	sld [smem:$0xC2]  }
0x1aa: {  	s5 =	simm.s32 @p0 $0x9B0000;
	p0 =	sgt.f32 s23, s6;
	s6 =	smax.f32 s6, s23  }
0x1ab: {  	s23 =	sld [smem:$0xC3];
	s5 =	simm.s32 @p1 $0x9C0000;
	p1 =	sgt.f32 s24, s6  }
0x1ac: {  	s6 =	smax.f32 s6, s24;
	s24 =	sld [smem:$0xC4]  }
0x1ad: {  	s5 =	simm.s32 @p0 $0x9D0000;
	p0 =	sgt.f32 s25, s6;
	s6 =	smax.f32 s6, s25  }
0x1ae: {  	s25 =	sld [smem:$0xC5];
	s5 =	simm.s32 @p1 $0x9E0000;
	p1 =	sgt.f32 s26, s6  }
0x1af: {  	s6 =	smax.f32 s6, s26;
	s26 =	sld [smem:$0xC6]  }
0x1b0: {  	s5 =	simm.s32 @p0 $0x9F0000;
	p0 =	sgt.f32 s28, s6;
	s6 =	smax.f32 s6, s28  }
0x1b1: {  	s28 =	sld [smem:$0xC7];
	s5 =	simm.s32 @p1 $0xA00000;
	p1 =	sgt.f32 s29, s6  }
0x1b2: {  	s6 =	smax.f32 s6, s29;
	s29 =	sld [smem:$0xC8]  }
0x1b3: {  	s5 =	simm.s32 @p0 $0xA10000;
	p0 =	sgt.f32 s30, s6;
	s6 =	smax.f32 s6, s30  }
0x1b4: {  	s30 =	sld [smem:$0xC9];
	s5 =	simm.s32 @p1 $0xA20000;
	p1 =	sgt.f32 s31, s6  }
0x1b5: {  	s6 =	smax.f32 s6, s31;
	s31 =	sld [smem:$0xCA]  }
0x1b6: {  	s5 =	simm.s32 @p0 $0xA30000;
	p0 =	sgt.f32 s9, s6;
	s6 =	smax.f32 s6, s9  }
0x1b7: {  	s9 =	sld [smem:$0xF5];
	s5 =	simm.s32 @p1 $0xA40000;
	p1 =	sgt.f32 s10, s6  }
0x1b8: {  	s6 =	smax.f32 s6, s10;
	s10 =	sld [smem:$0xCB]  }
0x1b9: {  	s5 =	simm.s32 @p0 $0xA50000;
	p0 =	sgt.f32 s11, s6;
	s6 =	smax.f32 s6, s11  }
0x1ba: {  	s11 =	sld [smem:$0xCC];
	s5 =	simm.s32 @p1 $0xA60000;
	p1 =	sgt.f32 s12, s6  }
0x1bb: {  	s6 =	smax.f32 s6, s12;
	s12 =	sld [smem:$0xCD]  }
0x1bc: {  	s5 =	simm.s32 @p0 $0xA70000;
	p0 =	sgt.f32 s13, s6;
	s6 =	smax.f32 s6, s13  }
0x1bd: {  	s13 =	sld [smem:$0xCE];
	s5 =	simm.s32 @p1 $0xA80000;
	p1 =	sgt.f32 s14, s6  }
0x1be: {  	s6 =	smax.f32 s6, s14;
	s14 =	sld [smem:$0xCF]  }
0x1bf: {  	s5 =	simm.s32 @p0 $0xA90000;
	p0 =	sgt.f32 s15, s6;
	s6 =	smax.f32 s6, s15  }
0x1c0: {  	s15 =	sld [smem:$0xD0];
	s5 =	simm.s32 @p1 $0xAA0000;
	p1 =	sgt.f32 s16, s6  }
0x1c1: {  	s6 =	smax.f32 s6, s16;
	s16 =	sld [smem:$0xD1]  }
0x1c2: {  	s5 =	simm.s32 @p0 $0xAB0000;
	p0 =	sgt.f32 s17, s6;
	s6 =	smax.f32 s6, s17  }
0x1c3: {  	s17 =	sld [smem:$0xD2];
	s5 =	simm.s32 @p1 $0xAC0000;
	p1 =	sgt.f32 s18, s6  }
0x1c4: {  	s6 =	smax.f32 s6, s18;
	s18 =	sld [smem:$0xD3]  }
0x1c5: {  	s5 =	simm.s32 @p0 $0xAD0000;
	p0 =	sgt.f32 s19, s6;
	s6 =	smax.f32 s6, s19  }
0x1c6: {  	s19 =	sld [smem:$0xD4];
	s5 =	simm.s32 @p1 $0xAE0000;
	p1 =	sgt.f32 s20, s6  }
0x1c7: {  	s6 =	smax.f32 s6, s20;
	s20 =	sld [smem:$0xD5]  }
0x1c8: {  	s5 =	simm.s32 @p0 $0xAF0000;
	p0 =	sgt.f32 s21, s6;
	s6 =	smax.f32 s6, s21  }
0x1c9: {  	s21 =	sld [smem:$0xD6];
	s5 =	simm.s32 @p1 $0xB00000;
	p1 =	sgt.f32 s22, s6  }
0x1ca: {  	s6 =	smax.f32 s6, s22;
	s22 =	sld [smem:$0xD7]  }
0x1cb: {  	s5 =	simm.s32 @p0 $0xB10000;
	p0 =	sgt.f32 s23, s6;
	s6 =	smax.f32 s6, s23  }
0x1cc: {  	s23 =	sld [smem:$0xD8];
	s5 =	simm.s32 @p1 $0xB20000;
	p1 =	sgt.f32 s24, s6  }
0x1cd: {  	s6 =	smax.f32 s6, s24;
	s24 =	sld [smem:$0xD9]  }
0x1ce: {  	s5 =	simm.s32 @p0 $0xB30000;
	p0 =	sgt.f32 s25, s6;
	s6 =	smax.f32 s6, s25  }
0x1cf: {  	s25 =	sld [smem:$0xDA];
	s5 =	simm.s32 @p1 $0xB40000;
	p1 =	sgt.f32 s26, s6  }
0x1d0: {  	s6 =	smax.f32 s6, s26;
	s26 =	sld [smem:$0xDB]  }
0x1d1: {  	s5 =	simm.s32 @p0 $0xB50000;
	p0 =	sgt.f32 s28, s6;
	s6 =	smax.f32 s6, s28  }
0x1d2: {  	s28 =	sld [smem:$0xDC];
	s5 =	simm.s32 @p1 $0xB60000;
	p1 =	sgt.f32 s29, s6  }
0x1d3: {  	s6 =	smax.f32 s6, s29;
	s29 =	sld [smem:$0xDD]  }
0x1d4: {  	s5 =	simm.s32 @p0 $0xB70000;
	p0 =	sgt.f32 s30, s6;
	s6 =	smax.f32 s6, s30  }
0x1d5: {  	s30 =	sld [smem:$0xDE];
	s5 =	simm.s32 @p1 $0xB80000;
	p1 =	sgt.f32 s31, s6  }
0x1d6: {  	s6 =	smax.f32 s6, s31;
	s31 =	sld [smem:$0xDF]  }
0x1d7: {  	s5 =	simm.s32 @p0 $0xB90000;
	p0 =	sgt.f32 s10, s6;
	s6 =	smax.f32 s6, s10  }
0x1d8: {  	s10 =	sld [smem:$0xE0];
	s5 =	simm.s32 @p1 $0xBA0000;
	p1 =	sgt.f32 s11, s6  }
0x1d9: {  	s6 =	smax.f32 s6, s11;
	s11 =	sld [smem:$0xE1]  }
0x1da: {  	s5 =	simm.s32 @p0 $0xBB0000;
	p0 =	sgt.f32 s12, s6;
	s6 =	smax.f32 s6, s12  }
0x1db: {  	s12 =	sld [smem:$0xE2];
	s5 =	simm.s32 @p1 $0xBC0000;
	p1 =	sgt.f32 s13, s6  }
0x1dc: {  	s6 =	smax.f32 s6, s13;
	s13 =	sld [smem:$0xE3]  }
0x1dd: {  	s5 =	simm.s32 @p0 $0xBD0000;
	p0 =	sgt.f32 s14, s6;
	s6 =	smax.f32 s6, s14  }
0x1de: {  	s14 =	sld [smem:$0xE4];
	s5 =	simm.s32 @p1 $0xBE0000;
	p1 =	sgt.f32 s15, s6  }
0x1df: {  	s6 =	smax.f32 s6, s15;
	s15 =	sld [smem:$0xE5]  }
0x1e0: {  	s5 =	simm.s32 @p0 $0xBF0000;
	p0 =	sgt.f32 s16, s6;
	s6 =	smax.f32 s6, s16  }
0x1e1: {  	s16 =	sld [smem:$0xE6];
	s5 =	simm.s32 @p1 $0xC00000;
	p1 =	sgt.f32 s17, s6  }
0x1e2: {  	s6 =	smax.f32 s6, s17;
	s17 =	sld [smem:$0xE7]  }
0x1e3: {  	s5 =	simm.s32 @p0 $0xC10000;
	p0 =	sgt.f32 s18, s6;
	s6 =	smax.f32 s6, s18  }
0x1e4: {  	s18 =	sld [smem:$0xE8];
	s5 =	simm.s32 @p1 $0xC20000;
	p1 =	sgt.f32 s19, s6  }
0x1e5: {  	s6 =	smax.f32 s6, s19;
	s19 =	sld [smem:$0xE9]  }
0x1e6: {  	s5 =	simm.s32 @p0 $0xC30000;
	p0 =	sgt.f32 s20, s6;
	s6 =	smax.f32 s6, s20  }
0x1e7: {  	s20 =	sld [smem:$0xEA];
	s5 =	simm.s32 @p1 $0xC40000;
	p1 =	sgt.f32 s21, s6  }
0x1e8: {  	s6 =	smax.f32 s6, s21;
	s21 =	sld [smem:$0xEB]  }
0x1e9: {  	s5 =	simm.s32 @p0 $0xC50000;
	p0 =	sgt.f32 s22, s6;
	s6 =	smax.f32 s6, s22  }
0x1ea: {  	s22 =	sld [smem:$0xEC];
	s5 =	simm.s32 @p1 $0xC60000;
	p1 =	sgt.f32 s23, s6  }
0x1eb: {  	s6 =	smax.f32 s6, s23;
	s23 =	sld [smem:$0xED]  }
0x1ec: {  	s5 =	simm.s32 @p0 $0xC70000;
	p0 =	sgt.f32 s24, s6;
	s6 =	smax.f32 s6, s24  }
0x1ed: {  	s24 =	sld [smem:$0xEE];
	s5 =	simm.s32 @p1 $0xC80000;
	p1 =	sgt.f32 s25, s6  }
0x1ee: {  	s6 =	smax.f32 s6, s25;
	s25 =	sld [smem:$0xEF]  }
0x1ef: {  	s5 =	simm.s32 @p0 $0xC90000;
	p0 =	sgt.f32 s26, s6;
	s6 =	smax.f32 s6, s26  }
0x1f0: {  	s26 =	sld [smem:$0xF0];
	s5 =	simm.s32 @p1 $0xCA0000;
	p1 =	sgt.f32 s28, s6  }
0x1f1: {  	s6 =	smax.f32 s6, s28;
	s28 =	sld [smem:$0xF1]  }
0x1f2: {  	s5 =	simm.s32 @p0 $0xCB0000;
	p0 =	sgt.f32 s29, s6;
	s6 =	smax.f32 s6, s29  }
0x1f3: {  	s29 =	sld [smem:$0xF2];
	s5 =	simm.s32 @p1 $0xCC0000;
	p1 =	sgt.f32 s30, s6  }
0x1f4: {  	s6 =	smax.f32 s6, s30;
	s30 =	sld [smem:$0xF3]  }
0x1f5: {  	s5 =	simm.s32 @p0 $0xCD0000;
	p0 =	sgt.f32 s31, s6;
	s6 =	smax.f32 s6, s31  }
0x1f6: {  	s31 =	sld [smem:$0xF4];
	s5 =	simm.s32 @p1 $0xCE0000;
	p1 =	sgt.f32 s10, s6  }
0x1f7: {  	s6 =	smax.f32 s6, s10;
	s10 =	sld [smem:$0xF6]  }
0x1f8: {  	s5 =	simm.s32 @p0 $0xCF0000;
	p0 =	sgt.f32 s11, s6;
	s6 =	smax.f32 s6, s11  }
0x1f9: {  	s11 =	sld [smem:$0xF7];
	s5 =	simm.s32 @p1 $0xD00000;
	p1 =	sgt.f32 s12, s6  }
0x1fa: {  	s6 =	smax.f32 s6, s12;
	s12 =	sld [smem:$0xF8]  }
0x1fb: {  	s5 =	simm.s32 @p0 $0xD10000;
	p0 =	sgt.f32 s13, s6;
	s6 =	smax.f32 s6, s13  }
0x1fc: {  	s13 =	sld [smem:$0xF9];
	s5 =	simm.s32 @p1 $0xD20000;
	p1 =	sgt.f32 s14, s6  }
0x1fd: {  	s6 =	smax.f32 s6, s14;
	s14 =	sld [smem:$0xFA]  }
0x1fe: {  	s5 =	simm.s32 @p0 $0xD30000;
	p0 =	sgt.f32 s15, s6;
	s6 =	smax.f32 s6, s15  }
0x1ff: {  	s15 =	sld [smem:$0xFB];
	s5 =	simm.s32 @p1 $0xD40000;
	p1 =	sgt.f32 s16, s6  }
0x200: {  	s6 =	smax.f32 s6, s16;
	s16 =	sld [smem:$0xFC]  }
0x201: {  	s5 =	simm.s32 @p0 $0xD50000;
	p0 =	sgt.f32 s17, s6;
	s6 =	smax.f32 s6, s17  }
0x202: {  	s17 =	sld [smem:$0xFD];
	s5 =	simm.s32 @p1 $0xD60000;
	p1 =	sgt.f32 s18, s6  }
0x203: {  	s6 =	smax.f32 s6, s18;
	s18 =	sld [smem:$0xFE]  }
0x204: {  	s5 =	simm.s32 @p0 $0xD70000;
	p0 =	sgt.f32 s19, s6;
	s6 =	smax.f32 s6, s19  }
0x205: {  	s19 =	sld [smem:$0xFF];
	s5 =	simm.s32 @p1 $0xD80000;
	p1 =	sgt.f32 s20, s6  }
0x206: {  	s6 =	smax.f32 s6, s20;
	s20 =	sld [smem:$0x100]  }
0x207: {  	s5 =	simm.s32 @p0 $0xD90000;
	p0 =	sgt.f32 s21, s6;
	s6 =	smax.f32 s6, s21  }
0x208: {  	s21 =	sld [smem:$0x101];
	s5 =	simm.s32 @p1 $0xDA0000;
	p1 =	sgt.f32 s22, s6  }
0x209: {  	s6 =	smax.f32 s6, s22;
	s22 =	sld [smem:$0x102]  }
0x20a: {  	s5 =	simm.s32 @p0 $0xDB0000;
	p0 =	sgt.f32 s23, s6;
	s6 =	smax.f32 s6, s23  }
0x20b: {  	s23 =	sld [smem:$0x103];
	s5 =	simm.s32 @p1 $0xDC0000;
	p1 =	sgt.f32 s24, s6  }
0x20c: {  	s6 =	smax.f32 s6, s24;
	s24 =	sld [smem:$0x104]  }
0x20d: {  	s5 =	simm.s32 @p0 $0xDD0000;
	p0 =	sgt.f32 s25, s6;
	s6 =	smax.f32 s6, s25  }
0x20e: {  	s25 =	sld [smem:$0x105];
	s5 =	simm.s32 @p1 $0xDE0000;
	p1 =	sgt.f32 s26, s6  }
0x20f: {  	s6 =	smax.f32 s6, s26;
	s26 =	sld [smem:$0x106]  }
0x210: {  	s5 =	simm.s32 @p0 $0xDF0000;
	p0 =	sgt.f32 s28, s6;
	s6 =	smax.f32 s6, s28  }
0x211: {  	s28 =	sld [smem:$0x107];
	s5 =	simm.s32 @p1 $0xE00000;
	p1 =	sgt.f32 s29, s6  }
0x212: {  	s6 =	smax.f32 s6, s29;
	s29 =	sld [smem:$0x108]  }
0x213: {  	s5 =	simm.s32 @p0 $0xE10000;
	p0 =	sgt.f32 s30, s6;
	s6 =	smax.f32 s6, s30  }
0x214: {  	s30 =	sld [smem:$0x109];
	s5 =	simm.s32 @p1 $0xE20000;
	p1 =	sgt.f32 s31, s6  }
0x215: {  	s6 =	smax.f32 s6, s31;
	s31 =	sld [smem:$0x10A]  }
0x216: {  	s5 =	simm.s32 @p0 $0xE30000;
	p0 =	sgt.f32 s9, s6;
	s6 =	smax.f32 s6, s9  }
0x217: {  	s5 =	simm.s32 @p1 $0xE40000;
	p1 =	sgt.f32 s10, s6;
	s6 =	smax.f32 s6, s10  }
0x218: {  	s10 =	sld [smem:$0x10B];
	s5 =	simm.s32 @p0 $0xE50000;
	p0 =	sgt.f32 s11, s6  }
0x219: {  	s6 =	smax.f32 s6, s11;
	s11 =	sld [smem:$0x10C]  }
0x21a: {  	s5 =	simm.s32 @p1 $0xE60000;
	p1 =	sgt.f32 s12, s6;
	s6 =	smax.f32 s6, s12  }
0x21b: {  	s12 =	sld [smem:$0x10D];
	s5 =	simm.s32 @p0 $0xE70000;
	p0 =	sgt.f32 s13, s6  }
0x21c: {  	s6 =	smax.f32 s6, s13;
	s13 =	sld [smem:$0x10E]  }
0x21d: {  	s5 =	simm.s32 @p1 $0xE80000;
	p1 =	sgt.f32 s14, s6;
	s6 =	smax.f32 s6, s14  }
0x21e: {  	s14 =	sld [smem:$0x10F];
	s5 =	simm.s32 @p0 $0xE90000;
	p0 =	sgt.f32 s15, s6  }
0x21f: {  	s6 =	smax.f32 s6, s15;
	s15 =	sld [smem:$0xF]  }
0x220: {  	s5 =	simm.s32 @p1 $0xEA0000;
	p1 =	sgt.f32 s16, s6;
	s6 =	smax.f32 s6, s16  }
0x221: {  	s5 =	simm.s32 @p0 $0xEB0000;
	p0 =	sgt.f32 s17, s6;
	s6 =	smax.f32 s6, s17  }
0x222: {  	s5 =	simm.s32 @p1 $0xEC0000;
	p1 =	sgt.f32 s18, s6;
	s6 =	smax.f32 s6, s18  }
0x223: {  	s5 =	simm.s32 @p0 $0xED0000;
	p0 =	sgt.f32 s19, s6;
	s6 =	smax.f32 s6, s19  }
0x224: {  	s5 =	simm.s32 @p1 $0xEE0000;
	p1 =	sgt.f32 s20, s6;
	s6 =	smax.f32 s6, s20  }
0x225: {  	s5 =	simm.s32 @p0 $0xEF0000;
	p0 =	sgt.f32 s21, s6;
	s6 =	smax.f32 s6, s21  }
0x226: {  	s5 =	simm.s32 @p1 $0xF00000;
	p1 =	sgt.f32 s22, s6;
	s6 =	smax.f32 s6, s22  }
0x227: {  	s5 =	simm.s32 @p0 $0xF10000;
	p0 =	sgt.f32 s23, s6;
	s6 =	smax.f32 s6, s23  }
0x228: {  	s5 =	simm.s32 @p1 $0xF20000;
	p1 =	sgt.f32 s24, s6;
	s6 =	smax.f32 s6, s24  }
0x229: {  	s5 =	simm.s32 @p0 $0xF30000;
	p0 =	sgt.f32 s25, s6;
	s6 =	smax.f32 s6, s25  }
0x22a: {  	s5 =	simm.s32 @p1 $0xF40000;
	p1 =	sgt.f32 s26, s6;
	s6 =	smax.f32 s6, s26  }
0x22b: {  	s5 =	simm.s32 @p0 $0xF50000;
	p0 =	sgt.f32 s28, s6;
	s6 =	smax.f32 s6, s28  }
0x22c: {  	s5 =	simm.s32 @p1 $0xF60000;
	p1 =	sgt.f32 s29, s6;
	s6 =	smax.f32 s6, s29  }
0x22d: {  	s5 =	simm.s32 @p0 $0xF70000;
	p0 =	sgt.f32 s30, s6;
	s6 =	smax.f32 s6, s30  }
0x22e: {  	s5 =	simm.s32 @p1 $0xF80000;
	p1 =	sgt.f32 s31, s6;
	s6 =	smax.f32 s6, s31  }
0x22f: {  	s5 =	simm.s32 @p0 $0xF90000;
	p0 =	sgt.f32 s10, s6;
	s6 =	smax.f32 s6, s10  }
0x230: {  	s5 =	simm.s32 @p1 $0xFA0000;
	p1 =	sgt.f32 s11, s6;
	s6 =	smax.f32 s6, s11  }
0x231: {  	s5 =	simm.s32 @p0 $0xFB0000;
	p0 =	sgt.f32 s12, s6;
	s6 =	smax.f32 s6, s12  }
0x232: {  	s5 =	simm.s32 @p1 $0xFC0000;
	p1 =	sgt.f32 s13, s6;
	s6 =	smax.f32 s6, s13  }
0x233: {  	s5 =	simm.s32 @p0 $0xFD0000;
	p0 =	sgt.f32 s14, s6  }
0x234: {  	s5 =	simm.s32 @p1 $0xFE0000  }
0x235: {  	s5 =	simm.s32 @p0 $0xFF0000  }
0x236: {  	p0 =	seq.s32 s15, $0x1;
	s6 =	sand.u32 $0x7, s5  }
0x237: {  	p1 =	sne.s32 @!p0 s6, $0x0  }
0x238: {  	p0 =	por !p1, p0  }
0x239: {  	s7 =	simm.s32 @!p0 $0x626  }
0x23a: {  	[smem:$0x3FFA] =	sst @!p0 s7;
	s7 =	simm.s32 @!p0 $0x0  }
0x23b: {  	s8 =	simm.s32 @!p0 $0x1;
	[sflag:s7] =	ssyncset.done @!p0 $0x1  }
0x23c: {  	[smem:$0xF] =	sst @!p0 s8  }
0x23d: {  	s16 =	sshrl.u32 s5, $0x3;
	_ =	sint @!p0 $0x2  }
0x23e: {  	s17 =	sadd.s32 s4, s16;
	_ =	swait.notdone @!p0 [sflag:s7]  }
0x23f: {  	[spmem:s2], [sflag:s3] =	dma.local [hbm:s17], $0x800  }
0x240: {  	s8 =	sld [smem:$0xF];
	_ =	sdelay $0x2  }
0x241: {  	p0 =	seq.s32 s6, $0x0  }
0x242: {  	p1 =	sne.s32 @!p0 s8, $0x1  }
0x243: {  	p1 =	por !p1, p0  }
0x244: {  	s6 =	simm.s32 @!p1 $0x629  }
0x245: {  	[smem:$0x3FFA] =	sst @!p1 s6;
	s6 =	simm.s32 @!p1 $0x0  }
0x246: {  	s8 =	simm.s32 @!p1 $0x1;
	[sflag:s6] =	ssyncset.done @!p1 $0x1  }
0x247: {  	s18 =	sadd.s32 $0x4000, s5;
	[smem:$0xF] =	sst @!p1 s8  }
0x248: {  	s19 =	sshrl.u32 s18, $0x3;
	_ =	sint @!p1 $0x2  }
0x249: {  	s21 =	simm.s32 $0x800;
	s20 =	sadd.s32 s4, s19;
	_ =	swait.notdone @!p1 [sflag:s6]  }
0x24a: {  	[spmem:s21], [sflag:s3] =	dma.local [hbm:s20], $0x800  }
0x24b: {  	s6 =	sld [smem:$0xF];
	_ =	sdelay $0x3  }
0x24c: {  	p1 =	sne.s32 @!p0 s6, $0x1  }
0x24d: {  	p1 =	por !p1, p0  }
0x24e: {  	s6 =	simm.s32 @!p1 $0x62C  }
0x24f: {  	[smem:$0x3FFA] =	sst @!p1 s6;
	s6 =	simm.s32 @!p1 $0x0  }
0x250: {  	s9 =	simm.s32 @!p1 $0x1;
	[sflag:s6] =	ssyncset.done @!p1 $0x1  }
0x251: {  	s5 =	sadd.s32 $0x8000, s5;
	[smem:$0xF] =	sst @!p1 s9  }
0x252: {  	s5 =	sshrl.u32 s5, $0x3;
	_ =	sint @!p1 $0x2  }
0x253: {  	s22 =	simm.s32 $0x1000;
	s4 =	sadd.s32 s4, s5;
	_ =	swait.notdone @!p1 [sflag:s6]  }
0x254: {  	[spmem:s22], [sflag:s3] =	dma.local [hbm:s4], $0x800  }
0x255: {  	s4 =	sld [smem:$0xF];
	_ =	sdelay $0x3  }
0x256: {  	p1 =	sne.s32 @!p0 s4, $0x1  }
0x257: {  	p0 =	por !p1, p0  }
0x258: {  	s4 =	simm.s32 @!p0 $0x62F  }
0x259: {  	[smem:$0x3FFA] =	sst @!p0 s4;
	s4 =	simm.s32 @!p0 $0x0  }
0x25a: {  	s6 =	simm.s32 @!p0 $0x1;
	[sflag:s4] =	ssyncset.done @!p0 $0x1  }
0x25b: {  	[smem:$0xF] =	sst @!p0 s6  }
0x25c: {  	_ =	sint @!p0 $0x2  }
0x25d: {  	s24 =	simm.s32 $0x1800;
	s23 =	sadd.s32 $0x1800, s17;
	_ =	swait.notdone @!p0 [sflag:s4]  }
0x25e: {  	[spmem:s24], [sflag:s3] =	dma.local [hbm:s23], $0x800  }
0x25f: {  	_ =	swait.ge [sflag:s3], $0x800  }
0x260: {  	[sflag:s3] =	ssyncset.done $0x0  }
0x261: {  	[sflag:s3] =	ssyncadd.s32 $0xFFFFF800;
	_ =	sdelay $0x1  }
0x262: {  	[hbm:s0], [sflag:s1] =	dma.local [spmem:s2], $0x800  }
0x263: {  	_ =	swait.ge [sflag:s3], $0x800  }
0x264: {  	[sflag:s3] =	ssyncset.done $0x0  }
0x265: {  	[sflag:s3] =	ssyncadd.s32 $0xFFFFF800  }
0x266: {  	s25 =	sadd.s32 $0x800, s0  }
0x267: {  	[hbm:s25], [sflag:s1] =	dma.local [spmem:s21], $0x800  }
0x268: {  	_ =	swait.ge [sflag:s3], $0x800  }
0x269: {  	[sflag:s3] =	ssyncset.done $0x0  }
0x26a: {  	[sflag:s3] =	ssyncadd.s32 $0xFFFFF800  }
0x26b: {  	s26 =	sadd.s32 $0x1000, s0  }
0x26c: {  	[hbm:s26], [sflag:s1] =	dma.local [spmem:s22], $0x800  }
0x26d: {  	_ =	swait.ge [sflag:s3], $0x800  }
0x26e: {  	[sflag:s3] =	ssyncset.done $0x0  }
0x26f: {  	[sflag:s3] =	ssyncadd.s32 $0xFFFFF800  }
0x270: {  	s0 =	sadd.s32 $0x1800, s0  }
0x271: {  	[hbm:s0], [sflag:s1] =	dma.local [spmem:s24], $0x800  }
0x272: {  	_ =	swait.ge [sflag:s1], $0x800  }
0x273: {  	[sflag:s1] =	ssyncset.done $0x0  }
0x274: {  	[sflag:s1] =	ssyncadd.s32 $0xFFFFF800;
	_ =	sdelay $0x2  }
0x275: {  	_ =	swait.ge [sflag:s1], $0x800  }
0x276: {  	[sflag:s1] =	ssyncset.done $0x0  }
0x277: {  	[sflag:s1] =	ssyncadd.s32 $0xFFFFF800;
	_ =	sdelay $0x2  }
0x278: {  	_ =	swait.ge [sflag:s1], $0x800  }
0x279: {  	[sflag:s1] =	ssyncset.done $0x0  }
0x27a: {  	[sflag:s1] =	ssyncadd.s32 $0xFFFFF800;
	_ =	sdelay $0x2  }
0x27b: {  	_ =	swait.ge [sflag:s1], $0x800  }
0x27c: {  	[sflag:s1] =	ssyncset.done $0x0  }
0x27d: {  	[sflag:s1] =	ssyncadd.s32 $0xFFFFF800  }
0x27e: {  	_ =	strace $0x90000046  }
0x27f: {  	_ =	sfence  }
0x280: {  	s28 =	sld [smem:$0x0];
	_ =	sdelay $0x1  }
0x281: {  	s29 =	srdreg.scid  }
0x282: {  	s30 =	sshll.u32 s29, $0xD;
	s31 =	sshrl.u32 s29, $0x2  }
0x283: {  	s2 =	sand.u32 $0x4000, s30;
	s1 =	sand.u32 $0x1, s29;
	s0 =	sadd.s32 s31, s28  }
0x284: {  	s1 =	sor.u32 s2, s1;
	s0 =	sshll.u32 s0, $0x11  }
0x285: {  	s0 =	sor.u32 s0, s1  }
0x286: {  	s0 =	sadd.s32 $0x8F2B, s0;
	(pc) =	sbr.abs _section_cstart, $3  }
0x287: {  	[sflag:s0] =	ssyncadd.remote.s32 $0x1  }
0x288: {  	_ =	strace $0x9FFFFFFF  }
0x289: {  	(tm) =	ssettm $0x7FFFFFFF  }

</sc_bundles>
